<compile_context>
chip_gen: v7x
topology: tpu7x:2x2x1
jax: 0.10.2.dev20260603
libtpu: 0.0.44.dev20260713+nightly
codegen_flags: <defaults>
</compile_context>

<pallas_src>
import jax
import jax.numpy as jnp
from jax import lax
from jax.experimental import pallas as pl
from jax.experimental.pallas import tpu as pltpu
from jax.experimental.pallas import tpu_sc as plsc

N = 10000
E = 320000
D = 128
NC = 2
NS = 16
NW = NC * NS
CHUNK = 128
K = 80
KP = K // 2
E_PAD = K * NW * CHUNK
NPAD_E = E_PAD - E
N_PAD = 10112
RPS = N_PAD // NS

def _mesh():
    return plsc.VectorSubcoreMesh(
        core_axis_name="c", subcore_axis_name="s",
        num_cores=NC, num_subcores=NS)


def _deg_body(dst4, zeros1, deg2, deg_sh, dstv, onesv, stagev, ssem):
    c = lax.axis_index("c")
    s = lax.axis_index("s")
    wid = c * NS + s
    r0 = s * RPS
    pltpu.sync_copy(zeros1.at[pl.ds(r0, RPS)], stagev)
    pltpu.sync_copy(stagev, deg_sh.at[pl.ds(r0, RPS)])
    pltpu.sync_copy(dst4.at[wid], dstv)
    for i in range(CHUNK // 16):
        onesv[pl.ds(i * 16, 16)] = jnp.full((16,), 1.0, jnp.float32)
    plsc.subcore_barrier()

    def step(j, carry):
        pltpu.async_copy(onesv, deg_sh.at[dstv.at[j]], ssem, add=True)
        return carry

    lax.fori_loop(0, K, step, 0)
    pltpu.make_async_copy(dst4.at[wid], dstv, ssem).wait()
    plsc.subcore_barrier()
    pltpu.sync_copy(deg_sh.at[pl.ds(r0, RPS)], stagev)
    pltpu.sync_copy(stagev, deg2.at[pl.ds(c * N_PAD + r0, RPS)])


def _deg_call(dst4, zeros1):
    return pl.kernel(
        _deg_body,
        out_type=jax.ShapeDtypeStruct((NC * N_PAD,), jnp.float32),
        mesh=_mesh(),
        scratch_types=[
            pltpu.VMEM_SHARED((N_PAD,), jnp.float32),
            pltpu.VMEM((K, CHUNK), jnp.int32),
            pltpu.VMEM((CHUNK,), jnp.float32),
            pltpu.VMEM((RPS,), jnp.float32),
            pltpu.SemaphoreType.DMA,
        ],
    )(dst4, zeros1)


def _mm_body(x_ref, w_ref, u_ref, deg_ref, o_ref, wsn_ref):
    @pl.when(pl.program_id(0) == 0)
    def _():
        W = w_ref[...]
        u = u_ref[...]
        v = u
        for _ in range(3):
            v = lax.dot_general(W, u, (((0,), (0,)), ((), ())))
            v = v / (jnp.sqrt(jnp.sum(v * v)) + 1e-12)
            u = jnp.dot(W, v)
            u = u / (jnp.sqrt(jnp.sum(u * u)) + 1e-12)
        sigma = jnp.sum(u * jnp.dot(W, v))
        wsn_ref[...] = w_ref[...] / sigma

    h = jnp.dot(x_ref[...], wsn_ref[...], preferred_element_type=jnp.float32)
    d = deg_ref[:, 0] + deg_ref[:, 1] + 1.0
    o_ref[...] = h * lax.rsqrt(d)[:, None]


def _mm_call(x, W, u0, deg2):
    blk = N_PAD // 4
    return pl.pallas_call(
        _mm_body,
        grid=(4,),
        in_specs=[
            pl.BlockSpec((blk, D), lambda i: (i, 0)),
            pl.BlockSpec((D, D), lambda i: (0, 0)),
            pl.BlockSpec((D, 1), lambda i: (0, 0)),
            pl.BlockSpec((blk, NC), lambda i: (i, 0)),
        ],
        out_specs=pl.BlockSpec((blk, D), lambda i: (i, 0)),
        out_shape=jax.ShapeDtypeStruct((N_PAD, D), jnp.float32),
        scratch_shapes=[pltpu.VMEM((D, D), jnp.float32)],
    )(x, W, u0, deg2)


def _scat_body(g, src_ph, dst_ph, zeros2, s2, acc_sh, srcv, dstv, rows, trashv,
               gsem, wsem):
    c = lax.axis_index("c")
    s = lax.axis_index("s")
    wid = c * NS + s
    r0 = s * RPS
    pltpu.sync_copy(zeros2, rows.at[0])
    for t in range(5):
        n = 128 if t < 4 else RPS - 4 * 128
        pltpu.async_copy(
            rows.at[0, pl.ds(0, n)], acc_sh.at[pl.ds(r0 + t * 128, n)], wsem)
    for t in range(5):
        n = 128 if t < 4 else RPS - 4 * 128
        pltpu.make_async_copy(
            rows.at[0, pl.ds(0, n)], acc_sh.at[pl.ds(r0 + t * 128, n)], wsem).wait()
    plsc.subcore_barrier()

    for k in range(CHUNK // 16):
        trashv[pl.ds(k * 16, 16)] = N + k * 12 + lax.iota(jnp.int32, 16)

    for ph in range(2):
        pltpu.sync_copy(src_ph.at[wid * 2 + ph], srcv.at[pl.ds(0, KP)])
        pltpu.sync_copy(dst_ph.at[wid * 2 + ph], dstv)
        for k in range(CHUNK // 16):
            srcv[KP, pl.ds(k * 16, 16)] = srcv[0, pl.ds(k * 16, 16)]
        pltpu.async_copy(g.at[srcv.at[0]], rows.at[0], gsem)
        pltpu.async_copy(rows.at[1], acc_sh.at[trashv], wsem, add=True)

        def step(j, carry):
            p = lax.rem(j, 2)
            pltpu.make_async_copy(rows.at[1 - p], acc_sh.at[trashv], wsem).wait()
            pltpu.make_async_copy(g.at[srcv.at[j]], rows.at[p], gsem).wait()
            pltpu.async_copy(g.at[srcv.at[j + 1]], rows.at[1 - p], gsem)
            pltpu.async_copy(rows.at[p], acc_sh.at[dstv.at[j]], wsem, add=True)
            return carry

        lax.fori_loop(0, KP, step, 0)
        pltpu.make_async_copy(rows.at[0], acc_sh.at[trashv], wsem).wait()
        pltpu.make_async_copy(g.at[srcv.at[KP]], rows.at[lax.rem(KP, 2)], gsem).wait()
    plsc.subcore_barrier()
    sizes = (128, 128, 128, 128, RPS - 4 * 128)

    def _rd(t):
        return (acc_sh.at[pl.ds(r0 + t * 128, sizes[t])],
                rows.at[t % 2, pl.ds(0, sizes[t])])

    def _wr(t):
        return (rows.at[t % 2, pl.ds(0, sizes[t])],
                s2.at[c, pl.ds(r0 + t * 128, sizes[t])])

    pltpu.async_copy(*_rd(0), gsem)
    for t in range(5):
        pltpu.make_async_copy(*_rd(t), gsem).wait()
        pltpu.async_copy(*_wr(t), wsem)
        if t + 1 < 5:
            if t >= 1:
                pltpu.make_async_copy(*_wr(t - 1), wsem).wait()
            pltpu.async_copy(*_rd(t + 1), gsem)
    pltpu.make_async_copy(*_wr(3), wsem).wait()
    pltpu.make_async_copy(*_wr(4), wsem).wait()


def _scat_call(g, src_ph, dst_ph, zeros2):
    return pl.kernel(
        _scat_body,
        out_type=jax.ShapeDtypeStruct((NC, N_PAD, D), jnp.float32),
        mesh=_mesh(),
        scratch_types=[
            pltpu.VMEM_SHARED((N_PAD, D), jnp.float32),
            pltpu.VMEM((KP + 1, CHUNK), jnp.int32),
            pltpu.VMEM((KP, CHUNK), jnp.int32),
            pltpu.VMEM((2, CHUNK, D), jnp.float32),
            pltpu.VMEM((CHUNK,), jnp.int32),
            pltpu.SemaphoreType.DMA,
            pltpu.SemaphoreType.DMA,
        ],
    )(g, src_ph, dst_ph, zeros2)




def _fin_body(s2_ref, g_ref, deg_ref, b_ref, o_ref):
    d = deg_ref[:, 0] + deg_ref[:, 1] + 1.0
    dinv = lax.rsqrt(d)[:, None]
    acc = s2_ref[0] + s2_ref[1] + g_ref[...]
    o_ref[...] = acc * dinv + b_ref[...]


def _fin_call(s2, g, deg2, b):
    blk = 2000
    return pl.pallas_call(
        _fin_body,
        grid=(N // blk,),
        in_specs=[
            pl.BlockSpec((NC, blk, D), lambda i: (0, i, 0)),
            pl.BlockSpec((blk, D), lambda i: (i, 0)),
            pl.BlockSpec((blk, NC), lambda i: (i, 0)),
            pl.BlockSpec((1, D), lambda i: (0, 0)),
        ],
        out_specs=pl.BlockSpec((blk, D), lambda i: (i, 0)),
        out_shape=jax.ShapeDtypeStruct((N, D), jnp.float32),
    )(s2, g, deg2, b)


def kernel(x, edge_index, W, b, u0):
    src = edge_index[0].astype(jnp.int32)
    dst = edge_index[1].astype(jnp.int32)
    pad_i = jnp.arange(NPAD_E, dtype=jnp.int32)
    src_p = jnp.concatenate([src, (pad_i * 37) % N])
    dst_p = jnp.concatenate([dst, N + pad_i % (N_PAD - N)])
    dst4 = dst_p.reshape(NW, K, CHUNK)
    src_ph = src_p.reshape(NW * 2, KP, CHUNK)
    dst_ph = dst_p.reshape(NW * 2, KP, CHUNK)

    zeros1 = jnp.zeros((N_PAD,), jnp.float32)
    zeros2 = jnp.zeros((CHUNK, D), jnp.float32)

    deg2 = _deg_call(dst4, zeros1).reshape(NC, N_PAD).T

    g = _mm_call(x, W, u0.reshape(D, 1), deg2)

    s2 = _scat_call(g, src_ph, dst_ph, zeros2)
    return _fin_call(s2, g, deg2, b.reshape(1, D))

# --- scband reference (transcript-rebuilt; emitter-appended) ---
"""Pipeline reference for scband-ssf-1752346657107 (READ-ONLY COPY).

The authoritative reference and input builder live on the scoring server;
editing this copy changes nothing except your own understanding.
"""

import jax, jax.numpy as jnp
import numpy as np

N_NODES = 10000
N_EDGES = 320000
D_FEAT = 128
D_HID = 128


def _spectral_normalize(W, u0, n_iter=3):
    # Mimic torch.nn.utils.spectral_norm in eval/train: power iteration with
    # u, v treated as constants; sigma = u^T W v; return W / sigma.
    u = u0
    for _ in range(n_iter):
        v = W.T @ u
        v = v / (jnp.linalg.norm(v) + 1e-12)
        u = W @ v
        u = u / (jnp.linalg.norm(u) + 1e-12)
    u = jax.lax.stop_gradient(u)
    v = jax.lax.stop_gradient(v)
    sigma = u @ (W @ v)
    return W / sigma


def setup_inputs(seed: int = 0) -> dict:
    key = jax.random.key(seed)
    k_x, k_e, k_w, k_u = jax.random.split(key, 4)
    x = jax.random.normal(k_x, (N_NODES, D_FEAT), dtype=jnp.float32)
    edge_index = jax.random.randint(k_e, (2, N_EDGES), 0, N_NODES, dtype=jnp.int64)
    # GCNConv weight [in, out] (xavier uniform) and bias [out]
    limit = float(np.sqrt(6.0 / (D_FEAT + D_HID)))
    W = jax.random.uniform(k_w, (D_FEAT, D_HID), minval=-limit, maxval=limit, dtype=jnp.float32)
    b = jnp.zeros((D_HID,), dtype=jnp.float32)
    u0 = jax.random.normal(k_u, (D_FEAT,), dtype=jnp.float32)
    u0 = u0 / (jnp.linalg.norm(u0) + 1e-12)
    return {"x": x, "edge_index": edge_index, "W": W, "b": b, "u0": u0}


def reference(x, edge_index, W, b, u0):
    # SSF.forward == Encoder.forward == GCN.forward == spectral_norm(GCNConv)(x, edge_index)
    N = x.shape[0]
    W_sn = _spectral_normalize(W, u0)
    src = edge_index[0]
    dst = edge_index[1]
    # GCNConv default: add self-loops, symmetric normalization
    loop = jnp.arange(N, dtype=src.dtype)
    src = jnp.concatenate([src, loop])
    dst = jnp.concatenate([dst, loop])
    ones = jnp.ones_like(dst, dtype=x.dtype)
    deg = jnp.zeros((N,), dtype=x.dtype).at[dst].add(ones)
    deg_inv_sqrt = jnp.where(deg > 0, jax.lax.rsqrt(jnp.maximum(deg, 1e-12)), 0.0)
    norm = deg_inv_sqrt[src] * deg_inv_sqrt[dst]
    h = x @ W_sn
    msg = h[src] * norm[:, None]
    out = jnp.zeros((N, h.shape[1]), dtype=x.dtype).at[dst].add(msg)
    out = out + b
    return out

if __name__ == "__main__":
    import jax
    _d = setup_inputs()
    print(jax.jit(kernel)(*tuple(_d.values())))

</pallas_src>

<mosaic_0001>
#map = affine_map<(d0, d1) -> (0, 0, 0)>
#map1 = affine_map<(d0, d1) -> (0)>
module attributes {stable_mosaic.version = 14 : i64} {
  func.func @_deg_body(%arg0: i32, %arg1: i32, %arg2: memref<32x80x128xi32, #tpu.memory_space<hbm>>, %arg3: memref<10112xf32, #tpu.memory_space<hbm>>, %arg4: memref<20224xf32, #tpu.memory_space<hbm>>, %arg5: memref<10112xf32, #tpu.memory_space<vmem_shared>>, %arg6: memref<80x128xi32, #tpu.memory_space<vmem>>, %arg7: memref<128xf32, #tpu.memory_space<vmem>>, %arg8: memref<632xf32, #tpu.memory_space<vmem>>, %arg9: memref<!tpu.dma_semaphore, #tpu.memory_space<semaphore_mem>>) attributes {dimension_semantics = [#tpu.dimension_semantics<core_parallel>, #tpu.dimension_semantics<subcore_parallel>], iteration_bounds = array<i64: 2, 16>, scalar_prefetch = 0 : i64, scratch_operands = 5 : i64, tpu.core_type = #tpu.core_type<sc_vector_subcore>, window_params = [{transform_indices = #map}, {transform_indices = #map1}, {transform_indices = #map1}]} {
    %mul3A = arith.constant 16 : i32
    %mul3A_0 = arith.muli %arg0, %mul3A : i32
    %add3A = arith.addi %mul3A_0, %arg1 : i32
    %mul3A_1 = arith.constant 632 : i32
    %mul3A_2 = arith.muli %arg1, %mul3A_1 : i32
    "tpu.region"() ({
      %run_scoped3A = tpu.sem_alloc : memref<!tpu.dma_semaphore, #tpu.memory_space<semaphore_mem>>
      %dma_start3A = tpu.memref_slice %arg3[%mul3A_2] : memref<10112xf32, #tpu.memory_space<hbm>> -> memref<632xf32, #tpu.memory_space<hbm>>
      %dma_start3A_65 = tpu.memref_slice %arg3[%mul3A_2] : memref<10112xf32, #tpu.memory_space<hbm>> -> memref<632xf32, #tpu.memory_space<hbm>>
      tpu.enqueue_dma source(%dma_start3A_65 : memref<632xf32, #tpu.memory_space<hbm>>) target(%arg8 : memref<632xf32, #tpu.memory_space<vmem>>) target_semaphore(%run_scoped3A : memref<!tpu.dma_semaphore, #tpu.memory_space<semaphore_mem>>)
      %dma_wait3A_66 = tpu.memref_slice %arg3[%mul3A_2] : memref<10112xf32, #tpu.memory_space<hbm>> -> memref<632xf32, #tpu.memory_space<hbm>>
      %dma_wait3A_67 = tpu.memref_slice %arg3[%mul3A_2] : memref<10112xf32, #tpu.memory_space<hbm>> -> memref<632xf32, #tpu.memory_space<hbm>>
      tpu.wait_dma2 semaphore(%run_scoped3A : memref<!tpu.dma_semaphore, #tpu.memory_space<semaphore_mem>>) src(%dma_wait3A_67 : memref<632xf32, #tpu.memory_space<hbm>>) dst(%arg8 : memref<632xf32, #tpu.memory_space<vmem>>)
      tpu.yield
    }) : () -> ()
    "tpu.region"() ({
      %run_scoped3A = tpu.sem_alloc : memref<!tpu.dma_semaphore, #tpu.memory_space<semaphore_mem>>
      %dma_start3A = tpu.memref_slice %arg5[%mul3A_2] : memref<10112xf32, #tpu.memory_space<vmem_shared>> -> memref<632xf32, #tpu.memory_space<vmem_shared>>
      %dma_start3A_65 = tpu.memref_slice %arg5[%mul3A_2] : memref<10112xf32, #tpu.memory_space<vmem_shared>> -> memref<632xf32, #tpu.memory_space<vmem_shared>>
      tpu.enqueue_dma source(%arg8 : memref<632xf32, #tpu.memory_space<vmem>>) target(%dma_start3A_65 : memref<632xf32, #tpu.memory_space<vmem_shared>>) target_semaphore(%run_scoped3A : memref<!tpu.dma_semaphore, #tpu.memory_space<semaphore_mem>>)
      %dma_wait3A_66 = tpu.memref_slice %arg5[%mul3A_2] : memref<10112xf32, #tpu.memory_space<vmem_shared>> -> memref<632xf32, #tpu.memory_space<vmem_shared>>
      %dma_wait3A_67 = tpu.memref_slice %arg5[%mul3A_2] : memref<10112xf32, #tpu.memory_space<vmem_shared>> -> memref<632xf32, #tpu.memory_space<vmem_shared>>
      tpu.wait_dma2 semaphore(%run_scoped3A : memref<!tpu.dma_semaphore, #tpu.memory_space<semaphore_mem>>) src(%arg8 : memref<632xf32, #tpu.memory_space<vmem>>) dst(%dma_wait3A_67 : memref<632xf32, #tpu.memory_space<vmem_shared>>)
      tpu.yield
    }) : () -> ()
    "tpu.region"() ({
      %run_scoped3A = tpu.sem_alloc : memref<!tpu.dma_semaphore, #tpu.memory_space<semaphore_mem>>
      %dma_start3A = arith.constant 0 : i32
      %dma_start3A_65 = arith.constant 0 : i32
      %dma_start3A_66 = tpu.memref_slice %arg2[%add3A, %dma_start3A, %dma_start3A_65] : memref<32x80x128xi32, #tpu.memory_space<hbm>> -> memref<1x80x128xi32, #tpu.memory_space<hbm>>
      %dma_start3A_67 = tpu.memref_squeeze %dma_start3A_66 : memref<1x80x128xi32, #tpu.memory_space<hbm>> -> memref<80x128xi32, #tpu.memory_space<hbm>>
      %dma_start3A_68 = arith.constant 0 : i32
      %dma_start3A_69 = arith.constant 0 : i32
      %dma_start3A_70 = tpu.memref_slice %arg2[%add3A, %dma_start3A_68, %dma_start3A_69] : memref<32x80x128xi32, #tpu.memory_space<hbm>> -> memref<1x80x128xi32, #tpu.memory_space<hbm>>
      %dma_start3A_71 = tpu.memref_squeeze %dma_start3A_70 : memref<1x80x128xi32, #tpu.memory_space<hbm>> -> memref<80x128xi32, #tpu.memory_space<hbm>>
      tpu.enqueue_dma source(%dma_start3A_71 : memref<80x128xi32, #tpu.memory_space<hbm>>) target(%arg6 : memref<80x128xi32, #tpu.memory_space<vmem>>) target_semaphore(%run_scoped3A : memref<!tpu.dma_semaphore, #tpu.memory_space<semaphore_mem>>)
      %dma_wait3A_72 = arith.constant 0 : i32
      %dma_wait3A_73 = arith.constant 0 : i32
      %dma_wait3A_74 = tpu.memref_slice %arg2[%add3A, %dma_wait3A_72, %dma_wait3A_73] : memref<32x80x128xi32, #tpu.memory_space<hbm>> -> memref<1x80x128xi32, #tpu.memory_space<hbm>>
      %dma_wait3A_75 = tpu.memref_squeeze %dma_wait3A_74 : memref<1x80x128xi32, #tpu.memory_space<hbm>> -> memref<80x128xi32, #tpu.memory_space<hbm>>
      %dma_wait3A_76 = arith.constant 0 : i32
      %dma_wait3A_77 = arith.constant 0 : i32
      %dma_wait3A_78 = tpu.memref_slice %arg2[%add3A, %dma_wait3A_76, %dma_wait3A_77] : memref<32x80x128xi32, #tpu.memory_space<hbm>> -> memref<1x80x128xi32, #tpu.memory_space<hbm>>
      %dma_wait3A_79 = tpu.memref_squeeze %dma_wait3A_78 : memref<1x80x128xi32, #tpu.memory_space<hbm>> -> memref<80x128xi32, #tpu.memory_space<hbm>>
      tpu.wait_dma2 semaphore(%run_scoped3A : memref<!tpu.dma_semaphore, #tpu.memory_space<semaphore_mem>>) src(%dma_wait3A_79 : memref<80x128xi32, #tpu.memory_space<hbm>>) dst(%arg6 : memref<80x128xi32, #tpu.memory_space<vmem>>)
      tpu.yield
    }) : () -> ()
    %broadcast_in_dim3A = arith.constant 1.000000e+00 : f32
    %broadcast_in_dim3A_3 = vector.broadcast %broadcast_in_dim3A : f32 to vector<16xf32>
    %swap3A = arith.constant 0 : index
    %swap3A_4 = tpu.vector_load %arg7[%swap3A] {strides = array<i32>} : memref<128xf32, #tpu.memory_space<vmem>>, vector<16xf32>,
    %swap3A_5 = vector.shape_cast %swap3A_4 : vector<16xf32> to vector<16xf32>
    %swap3A_6 = vector.shape_cast %broadcast_in_dim3A_3 : vector<16xf32> to vector<16xf32>
    tpu.vector_store %arg7[%swap3A], %swap3A_6 {strides = array<i32>} : memref<128xf32, #tpu.memory_space<vmem>>, vector<16xf32>,
    %broadcast_in_dim3A_7 = arith.constant 1.000000e+00 : f32
    %broadcast_in_dim3A_8 = vector.broadcast %broadcast_in_dim3A_7 : f32 to vector<16xf32>
    %swap3A_9 = arith.constant 16 : index
    %swap3A_10 = tpu.vector_load %arg7[%swap3A_9] {strides = array<i32>} : memref<128xf32, #tpu.memory_space<vmem>>, vector<16xf32>,
    %swap3A_11 = vector.shape_cast %swap3A_10 : vector<16xf32> to vector<16xf32>
    %swap3A_12 = vector.shape_cast %broadcast_in_dim3A_8 : vector<16xf32> to vector<16xf32>
    tpu.vector_store %arg7[%swap3A_9], %swap3A_12 {strides = array<i32>} : memref<128xf32, #tpu.memory_space<vmem>>, vector<16xf32>,
    %broadcast_in_dim3A_13 = arith.constant 1.000000e+00 : f32
    %broadcast_in_dim3A_14 = vector.broadcast %broadcast_in_dim3A_13 : f32 to vector<16xf32>
    %swap3A_15 = arith.constant 32 : index
    %swap3A_16 = tpu.vector_load %arg7[%swap3A_15] {strides = array<i32>} : memref<128xf32, #tpu.memory_space<vmem>>, vector<16xf32>,
    %swap3A_17 = vector.shape_cast %swap3A_16 : vector<16xf32> to vector<16xf32>
    %swap3A_18 = vector.shape_cast %broadcast_in_dim3A_14 : vector<16xf32> to vector<16xf32>
    tpu.vector_store %arg7[%swap3A_15], %swap3A_18 {strides = array<i32>} : memref<128xf32, #tpu.memory_space<vmem>>, vector<16xf32>,
    %broadcast_in_dim3A_19 = arith.constant 1.000000e+00 : f32
    %broadcast_in_dim3A_20 = vector.broadcast %broadcast_in_dim3A_19 : f32 to vector<16xf32>
    %swap3A_21 = arith.constant 48 : index
    %swap3A_22 = tpu.vector_load %arg7[%swap3A_21] {strides = array<i32>} : memref<128xf32, #tpu.memory_space<vmem>>, vector<16xf32>,
    %swap3A_23 = vector.shape_cast %swap3A_22 : vector<16xf32> to vector<16xf32>
    %swap3A_24 = vector.shape_cast %broadcast_in_dim3A_20 : vector<16xf32> to vector<16xf32>
    tpu.vector_store %arg7[%swap3A_21], %swap3A_24 {strides = array<i32>} : memref<128xf32, #tpu.memory_space<vmem>>, vector<16xf32>,
    %broadcast_in_dim3A_25 = arith.constant 1.000000e+00 : f32
    %broadcast_in_dim3A_26 = vector.broadcast %broadcast_in_dim3A_25 : f32 to vector<16xf32>
    %swap3A_27 = arith.constant 64 : index
    %swap3A_28 = tpu.vector_load %arg7[%swap3A_27] {strides = array<i32>} : memref<128xf32, #tpu.memory_space<vmem>>, vector<16xf32>,
    %swap3A_29 = vector.shape_cast %swap3A_28 : vector<16xf32> to vector<16xf32>
    %swap3A_30 = vector.shape_cast %broadcast_in_dim3A_26 : vector<16xf32> to vector<16xf32>
    tpu.vector_store %arg7[%swap3A_27], %swap3A_30 {strides = array<i32>} : memref<128xf32, #tpu.memory_space<vmem>>, vector<16xf32>,
    %broadcast_in_dim3A_31 = arith.constant 1.000000e+00 : f32
    %broadcast_in_dim3A_32 = vector.broadcast %broadcast_in_dim3A_31 : f32 to vector<16xf32>
    %swap3A_33 = arith.constant 80 : index
    %swap3A_34 = tpu.vector_load %arg7[%swap3A_33] {strides = array<i32>} : memref<128xf32, #tpu.memory_space<vmem>>, vector<16xf32>,
    %swap3A_35 = vector.shape_cast %swap3A_34 : vector<16xf32> to vector<16xf32>
    %swap3A_36 = vector.shape_cast %broadcast_in_dim3A_32 : vector<16xf32> to vector<16xf32>
    tpu.vector_store %arg7[%swap3A_33], %swap3A_36 {strides = array<i32>} : memref<128xf32, #tpu.memory_space<vmem>>, vector<16xf32>,
    %broadcast_in_dim3A_37 = arith.constant 1.000000e+00 : f32
    %broadcast_in_dim3A_38 = vector.broadcast %broadcast_in_dim3A_37 : f32 to vector<16xf32>
    %swap3A_39 = arith.constant 96 : index
    %swap3A_40 = tpu.vector_load %arg7[%swap3A_39] {strides = array<i32>} : memref<128xf32, #tpu.memory_space<vmem>>, vector<16xf32>,
    %swap3A_41 = vector.shape_cast %swap3A_40 : vector<16xf32> to vector<16xf32>
    %swap3A_42 = vector.shape_cast %broadcast_in_dim3A_38 : vector<16xf32> to vector<16xf32>
    tpu.vector_store %arg7[%swap3A_39], %swap3A_42 {strides = array<i32>} : memref<128xf32, #tpu.memory_space<vmem>>, vector<16xf32>,
    %broadcast_in_dim3A_43 = arith.constant 1.000000e+00 : f32
    %broadcast_in_dim3A_44 = vector.broadcast %broadcast_in_dim3A_43 : f32 to vector<16xf32>
    %swap3A_45 = arith.constant 112 : index
    %swap3A_46 = tpu.vector_load %arg7[%swap3A_45] {strides = array<i32>} : memref<128xf32, #tpu.memory_space<vmem>>, vector<16xf32>,
    %swap3A_47 = vector.shape_cast %swap3A_46 : vector<16xf32> to vector<16xf32>
    %swap3A_48 = vector.shape_cast %broadcast_in_dim3A_44 : vector<16xf32> to vector<16xf32>
    tpu.vector_store %arg7[%swap3A_45], %swap3A_48 {strides = array<i32>} : memref<128xf32, #tpu.memory_space<vmem>>, vector<16xf32>,
    %barrier3A = arith.constant 0 : index
    tpu.barrier barrier_id(%barrier3A)
    %scan3A = arith.constant 0 : i32
    %scan3A_49 = arith.constant 0 : i32
    %scan3A_50 = arith.constant 80 : i32
    %scan3A_51 = arith.addi %scan3A_49, %scan3A_50 : i32
    %scan3A_52 = arith.constant 1 : i32
    scf.for %scan3A_65 = %scan3A_49 to %scan3A_51 step %scan3A_52  : i32 {
      %dma_start3A = arith.constant 0 : i32
      %dma_start3A_66 = tpu.memref_slice %arg6[%scan3A_65, %dma_start3A] : memref<80x128xi32, #tpu.memory_space<vmem>> -> memref<1x128xi32, #tpu.memory_space<vmem>>
      %dma_start3A_67 = tpu.memref_squeeze %dma_start3A_66 : memref<1x128xi32, #tpu.memory_space<vmem>> -> memref<128xi32, #tpu.memory_space<vmem>>
      %dma_start3A_68 = arith.constant 0 : i32
      %dma_start3A_69 = tpu.memref_slice %arg5[%dma_start3A_68] : memref<10112xf32, #tpu.memory_space<vmem_shared>> -> memref<10112xf32, #tpu.memory_space<vmem_shared>>
      tpu.enqueue_indirect_dma source(%arg7 : memref<128xf32, #tpu.memory_space<vmem>>) target(%dma_start3A_69 : memref<10112xf32, #tpu.memory_space<vmem_shared>>) offsets(%dma_start3A_67 : memref<128xi32, #tpu.memory_space<vmem>>) semaphore(%arg9 : memref<!tpu.dma_semaphore, #tpu.memory_space<semaphore_mem>>) {add = true}
    }
    %scan3A_53 = arith.constant 80 : i32
    %dma_wait3A = arith.constant 0 : i32
    %dma_wait3A_54 = arith.constant 0 : i32
    %dma_wait3A_55 = tpu.memref_slice %arg2[%add3A, %dma_wait3A, %dma_wait3A_54] : memref<32x80x128xi32, #tpu.memory_space<hbm>> -> memref<1x80x128xi32, #tpu.memory_space<hbm>>
    %dma_wait3A_56 = tpu.memref_squeeze %dma_wait3A_55 : memref<1x80x128xi32, #tpu.memory_space<hbm>> -> memref<80x128xi32, #tpu.memory_space<hbm>>
    %dma_wait3A_57 = arith.constant 0 : i32
    %dma_wait3A_58 = arith.constant 0 : i32
    %dma_wait3A_59 = tpu.memref_slice %arg2[%add3A, %dma_wait3A_57, %dma_wait3A_58] : memref<32x80x128xi32, #tpu.memory_space<hbm>> -> memref<1x80x128xi32, #tpu.memory_space<hbm>>
    %dma_wait3A_60 = tpu.memref_squeeze %dma_wait3A_59 : memref<1x80x128xi32, #tpu.memory_space<hbm>> -> memref<80x128xi32, #tpu.memory_space<hbm>>
    tpu.wait_dma2 semaphore(%arg9 : memref<!tpu.dma_semaphore, #tpu.memory_space<semaphore_mem>>) src(%dma_wait3A_60 : memref<80x128xi32, #tpu.memory_space<hbm>>) dst(%arg6 : memref<80x128xi32, #tpu.memory_space<vmem>>)
    %barrier3A_61 = arith.constant 0 : index
    tpu.barrier barrier_id(%barrier3A_61)
    "tpu.region"() ({
      %run_scoped3A = tpu.sem_alloc : memref<!tpu.dma_semaphore, #tpu.memory_space<semaphore_mem>>
      %dma_start3A = tpu.memref_slice %arg5[%mul3A_2] : memref<10112xf32, #tpu.memory_space<vmem_shared>> -> memref<632xf32, #tpu.memory_space<vmem_shared>>
      %dma_start3A_65 = tpu.memref_slice %arg5[%mul3A_2] : memref<10112xf32, #tpu.memory_space<vmem_shared>> -> memref<632xf32, #tpu.memory_space<vmem_shared>>
      tpu.enqueue_dma source(%dma_start3A_65 : memref<632xf32, #tpu.memory_space<vmem_shared>>) target(%arg8 : memref<632xf32, #tpu.memory_space<vmem>>) target_semaphore(%run_scoped3A : memref<!tpu.dma_semaphore, #tpu.memory_space<semaphore_mem>>)
      %dma_wait3A_66 = tpu.memref_slice %arg5[%mul3A_2] : memref<10112xf32, #tpu.memory_space<vmem_shared>> -> memref<632xf32, #tpu.memory_space<vmem_shared>>
      %dma_wait3A_67 = tpu.memref_slice %arg5[%mul3A_2] : memref<10112xf32, #tpu.memory_space<vmem_shared>> -> memref<632xf32, #tpu.memory_space<vmem_shared>>
      tpu.wait_dma2 semaphore(%run_scoped3A : memref<!tpu.dma_semaphore, #tpu.memory_space<semaphore_mem>>) src(%dma_wait3A_67 : memref<632xf32, #tpu.memory_space<vmem_shared>>) dst(%arg8 : memref<632xf32, #tpu.memory_space<vmem>>)
      tpu.yield
    }) : () -> ()
    %mul3A_62 = arith.constant 10112 : i32
    %mul3A_63 = arith.muli %arg0, %mul3A_62 : i32
    %add3A_64 = arith.addi %mul3A_63, %mul3A_2 : i32
    "tpu.region"() ({
      %run_scoped3A = tpu.sem_alloc : memref<!tpu.dma_semaphore, #tpu.memory_space<semaphore_mem>>
      %dma_start3A = tpu.memref_slice %arg4[%add3A_64] : memref<20224xf32, #tpu.memory_space<hbm>> -> memref<632xf32, #tpu.memory_space<hbm>>
      %dma_start3A_65 = tpu.memref_slice %arg4[%add3A_64] : memref<20224xf32, #tpu.memory_space<hbm>> -> memref<632xf32, #tpu.memory_space<hbm>>
      tpu.enqueue_dma source(%arg8 : memref<632xf32, #tpu.memory_space<vmem>>) target(%dma_start3A_65 : memref<632xf32, #tpu.memory_space<hbm>>) target_semaphore(%run_scoped3A : memref<!tpu.dma_semaphore, #tpu.memory_space<semaphore_mem>>)
      %dma_wait3A_66 = tpu.memref_slice %arg4[%add3A_64] : memref<20224xf32, #tpu.memory_space<hbm>> -> memref<632xf32, #tpu.memory_space<hbm>>
      %dma_wait3A_67 = tpu.memref_slice %arg4[%add3A_64] : memref<20224xf32, #tpu.memory_space<hbm>> -> memref<632xf32, #tpu.memory_space<hbm>>
      tpu.wait_dma2 semaphore(%run_scoped3A : memref<!tpu.dma_semaphore, #tpu.memory_space<semaphore_mem>>) src(%arg8 : memref<632xf32, #tpu.memory_space<vmem>>) dst(%dma_wait3A_67 : memref<632xf32, #tpu.memory_space<hbm>>)
      tpu.yield
    }) : () -> ()
    return
  }
}

#map = affine_map<(d0, d1) -> (0, 0)>
#map1 = affine_map<(d0, d1) -> (0, 0, 0)>
module attributes {stable_mosaic.version = 14 : i64} {
  func.func @_scat_body(%arg0: i32, %arg1: i32, %arg2: memref<10112x128xf32, #tpu.memory_space<hbm>>, %arg3: memref<64x40x128xi32, #tpu.memory_space<hbm>>, %arg4: memref<64x40x128xi32, #tpu.memory_space<hbm>>, %arg5: memref<128x128xf32, #tpu.memory_space<hbm>>, %arg6: memref<2x10112x128xf32, #tpu.memory_space<hbm>>, %arg7: memref<10112x128xf32, #tpu.memory_space<vmem_shared>>, %arg8: memref<41x128xi32, #tpu.memory_space<vmem>>, %arg9: memref<40x128xi32, #tpu.memory_space<vmem>>, %arg10: memref<2x128x128xf32, #tpu.memory_space<vmem>>, %arg11: memref<128xi32, #tpu.memory_space<vmem>>, %arg12: memref<!tpu.dma_semaphore, #tpu.memory_space<semaphore_mem>>, %arg13: memref<!tpu.dma_semaphore, #tpu.memory_space<semaphore_mem>>) attributes {dimension_semantics = [#tpu.dimension_semantics<core_parallel>, #tpu.dimension_semantics<subcore_parallel>], iteration_bounds = array<i64: 2, 16>, scalar_prefetch = 0 : i64, scratch_operands = 7 : i64, tpu.core_type = #tpu.core_type<sc_vector_subcore>, window_params = [{transform_indices = #map}, {transform_indices = #map1}, {transform_indices = #map1}, {transform_indices = #map}, {transform_indices = #map1}]} {
    %mul3A = arith.constant 16 : i32
    %mul3A_0 = arith.muli %arg0, %mul3A : i32
    %add3A = arith.addi %mul3A_0, %arg1 : i32
    %mul3A_1 = arith.constant 632 : i32
    %mul3A_2 = arith.muli %arg1, %mul3A_1 : i32
    %run_scoped3A = arith.constant 0 : i32
    "tpu.region"() ({
      %run_scoped3A_819 = tpu.sem_alloc : memref<!tpu.dma_semaphore, #tpu.memory_space<semaphore_mem>>
      %dma_start3A_820 = arith.constant 0 : i32
      %dma_start3A_821 = arith.constant 0 : i32
      %dma_start3A_822 = tpu.memref_slice %arg10[%run_scoped3A, %dma_start3A_820, %dma_start3A_821] : memref<2x128x128xf32, #tpu.memory_space<vmem>> -> memref<1x128x128xf32, #tpu.memory_space<vmem>>
      %dma_start3A_823 = tpu.memref_squeeze %dma_start3A_822 : memref<1x128x128xf32, #tpu.memory_space<vmem>> -> memref<128x128xf32, #tpu.memory_space<vmem>>
      %dma_start3A_824 = arith.constant 0 : i32
      %dma_start3A_825 = arith.constant 0 : i32
      %dma_start3A_826 = tpu.memref_slice %arg10[%run_scoped3A, %dma_start3A_824, %dma_start3A_825] : memref<2x128x128xf32, #tpu.memory_space<vmem>> -> memref<1x128x128xf32, #tpu.memory_space<vmem>>
      %dma_start3A_827 = tpu.memref_squeeze %dma_start3A_826 : memref<1x128x128xf32, #tpu.memory_space<vmem>> -> memref<128x128xf32, #tpu.memory_space<vmem>>
      tpu.enqueue_dma source(%arg5 : memref<128x128xf32, #tpu.memory_space<hbm>>) target(%dma_start3A_827 : memref<128x128xf32, #tpu.memory_space<vmem>>) target_semaphore(%run_scoped3A_819 : memref<!tpu.dma_semaphore, #tpu.memory_space<semaphore_mem>>)
      %dma_wait3A_828 = arith.constant 0 : i32
      %dma_wait3A_829 = arith.constant 0 : i32
      %dma_wait3A_830 = tpu.memref_slice %arg10[%run_scoped3A, %dma_wait3A_828, %dma_wait3A_829] : memref<2x128x128xf32, #tpu.memory_space<vmem>> -> memref<1x128x128xf32, #tpu.memory_space<vmem>>
      %dma_wait3A_831 = tpu.memref_squeeze %dma_wait3A_830 : memref<1x128x128xf32, #tpu.memory_space<vmem>> -> memref<128x128xf32, #tpu.memory_space<vmem>>
      %dma_wait3A_832 = arith.constant 0 : i32
      %dma_wait3A_833 = arith.constant 0 : i32
      %dma_wait3A_834 = tpu.memref_slice %arg10[%run_scoped3A, %dma_wait3A_832, %dma_wait3A_833] : memref<2x128x128xf32, #tpu.memory_space<vmem>> -> memref<1x128x128xf32, #tpu.memory_space<vmem>>
      %dma_wait3A_835 = tpu.memref_squeeze %dma_wait3A_834 : memref<1x128x128xf32, #tpu.memory_space<vmem>> -> memref<128x128xf32, #tpu.memory_space<vmem>>
      tpu.wait_dma2 semaphore(%run_scoped3A_819 : memref<!tpu.dma_semaphore, #tpu.memory_space<semaphore_mem>>) src(%arg5 : memref<128x128xf32, #tpu.memory_space<hbm>>) dst(%dma_wait3A_835 : memref<128x128xf32, #tpu.memory_space<vmem>>)
      tpu.yield
    }) : () -> ()
    %add3A_3 = arith.constant 0 : i32
    %add3A_4 = arith.addi %mul3A_2, %add3A_3 : i32
    %dma_start3A = arith.constant 0 : i32
    %dma_start3A_5 = arith.constant 0 : i32
    %dma_start3A_6 = arith.constant 0 : i32
    %dma_start3A_7 = tpu.memref_slice %arg10[%dma_start3A, %dma_start3A_5, %dma_start3A_6] : memref<2x128x128xf32, #tpu.memory_space<vmem>> -> memref<1x128x128xf32, #tpu.memory_space<vmem>>
    %dma_start3A_8 = tpu.memref_squeeze %dma_start3A_7 : memref<1x128x128xf32, #tpu.memory_space<vmem>> -> memref<128x128xf32, #tpu.memory_space<vmem>>
    %dma_start3A_9 = arith.constant 0 : i32
    %dma_start3A_10 = tpu.memref_slice %arg7[%add3A_4, %dma_start3A_9] : memref<10112x128xf32, #tpu.memory_space<vmem_shared>> -> memref<128x128xf32, #tpu.memory_space<vmem_shared>>
    %dma_start3A_11 = arith.constant 0 : i32
    %dma_start3A_12 = tpu.memref_slice %arg7[%add3A_4, %dma_start3A_11] : memref<10112x128xf32, #tpu.memory_space<vmem_shared>> -> memref<128x128xf32, #tpu.memory_space<vmem_shared>>
    %dma_start3A_13 = arith.constant 0 : i32
    %dma_start3A_14 = arith.constant 0 : i32
    %dma_start3A_15 = tpu.memref_slice %arg10[%dma_start3A, %dma_start3A_13, %dma_start3A_14] : memref<2x128x128xf32, #tpu.memory_space<vmem>> -> memref<1x128x128xf32, #tpu.memory_space<vmem>>
    %dma_start3A_16 = tpu.memref_squeeze %dma_start3A_15 : memref<1x128x128xf32, #tpu.memory_space<vmem>> -> memref<128x128xf32, #tpu.memory_space<vmem>>
    tpu.enqueue_dma source(%dma_start3A_16 : memref<128x128xf32, #tpu.memory_space<vmem>>) target(%dma_start3A_12 : memref<128x128xf32, #tpu.memory_space<vmem_shared>>) target_semaphore(%arg13 : memref<!tpu.dma_semaphore, #tpu.memory_space<semaphore_mem>>)
    %add3A_17 = arith.constant 128 : i32
    %add3A_18 = arith.addi %mul3A_2, %add3A_17 : i32
    %dma_start3A_19 = arith.constant 0 : i32
    %dma_start3A_20 = arith.constant 0 : i32
    %dma_start3A_21 = arith.constant 0 : i32
    %dma_start3A_22 = tpu.memref_slice %arg10[%dma_start3A_19, %dma_start3A_20, %dma_start3A_21] : memref<2x128x128xf32, #tpu.memory_space<vmem>> -> memref<1x128x128xf32, #tpu.memory_space<vmem>>
    %dma_start3A_23 = tpu.memref_squeeze %dma_start3A_22 : memref<1x128x128xf32, #tpu.memory_space<vmem>> -> memref<128x128xf32, #tpu.memory_space<vmem>>
    %dma_start3A_24 = arith.constant 0 : i32
    %dma_start3A_25 = tpu.memref_slice %arg7[%add3A_18, %dma_start3A_24] : memref<10112x128xf32, #tpu.memory_space<vmem_shared>> -> memref<128x128xf32, #tpu.memory_space<vmem_shared>>
    %dma_start3A_26 = arith.constant 0 : i32
    %dma_start3A_27 = tpu.memref_slice %arg7[%add3A_18, %dma_start3A_26] : memref<10112x128xf32, #tpu.memory_space<vmem_shared>> -> memref<128x128xf32, #tpu.memory_space<vmem_shared>>
    %dma_start3A_28 = arith.constant 0 : i32
    %dma_start3A_29 = arith.constant 0 : i32
    %dma_start3A_30 = tpu.memref_slice %arg10[%dma_start3A_19, %dma_start3A_28, %dma_start3A_29] : memref<2x128x128xf32, #tpu.memory_space<vmem>> -> memref<1x128x128xf32, #tpu.memory_space<vmem>>
    %dma_start3A_31 = tpu.memref_squeeze %dma_start3A_30 : memref<1x128x128xf32, #tpu.memory_space<vmem>> -> memref<128x128xf32, #tpu.memory_space<vmem>>
    tpu.enqueue_dma source(%dma_start3A_31 : memref<128x128xf32, #tpu.memory_space<vmem>>) target(%dma_start3A_27 : memref<128x128xf32, #tpu.memory_space<vmem_shared>>) target_semaphore(%arg13 : memref<!tpu.dma_semaphore, #tpu.memory_space<semaphore_mem>>)
    %add3A_32 = arith.constant 256 : i32
    %add3A_33 = arith.addi %mul3A_2, %add3A_32 : i32
    %dma_start3A_34 = arith.constant 0 : i32
    %dma_start3A_35 = arith.constant 0 : i32
    %dma_start3A_36 = arith.constant 0 : i32
    %dma_start3A_37 = tpu.memref_slice %arg10[%dma_start3A_34, %dma_start3A_35, %dma_start3A_36] : memref<2x128x128xf32, #tpu.memory_space<vmem>> -> memref<1x128x128xf32, #tpu.memory_space<vmem>>
    %dma_start3A_38 = tpu.memref_squeeze %dma_start3A_37 : memref<1x128x128xf32, #tpu.memory_space<vmem>> -> memref<128x128xf32, #tpu.memory_space<vmem>>
    %dma_start3A_39 = arith.constant 0 : i32
    %dma_start3A_40 = tpu.memref_slice %arg7[%add3A_33, %dma_start3A_39] : memref<10112x128xf32, #tpu.memory_space<vmem_shared>> -> memref<128x128xf32, #tpu.memory_space<vmem_shared>>
    %dma_start3A_41 = arith.constant 0 : i32
    %dma_start3A_42 = tpu.memref_slice %arg7[%add3A_33, %dma_start3A_41] : memref<10112x128xf32, #tpu.memory_space<vmem_shared>> -> memref<128x128xf32, #tpu.memory_space<vmem_shared>>
    %dma_start3A_43 = arith.constant 0 : i32
    %dma_start3A_44 = arith.constant 0 : i32
    %dma_start3A_45 = tpu.memref_slice %arg10[%dma_start3A_34, %dma_start3A_43, %dma_start3A_44] : memref<2x128x128xf32, #tpu.memory_space<vmem>> -> memref<1x128x128xf32, #tpu.memory_space<vmem>>
    %dma_start3A_46 = tpu.memref_squeeze %dma_start3A_45 : memref<1x128x128xf32, #tpu.memory_space<vmem>> -> memref<128x128xf32, #tpu.memory_space<vmem>>
    tpu.enqueue_dma source(%dma_start3A_46 : memref<128x128xf32, #tpu.memory_space<vmem>>) target(%dma_start3A_42 : memref<128x128xf32, #tpu.memory_space<vmem_shared>>) target_semaphore(%arg13 : memref<!tpu.dma_semaphore, #tpu.memory_space<semaphore_mem>>)
    %add3A_47 = arith.constant 384 : i32
    %add3A_48 = arith.addi %mul3A_2, %add3A_47 : i32
    %dma_start3A_49 = arith.constant 0 : i32
    %dma_start3A_50 = arith.constant 0 : i32
    %dma_start3A_51 = arith.constant 0 : i32
    %dma_start3A_52 = tpu.memref_slice %arg10[%dma_start3A_49, %dma_start3A_50, %dma_start3A_51] : memref<2x128x128xf32, #tpu.memory_space<vmem>> -> memref<1x128x128xf32, #tpu.memory_space<vmem>>
    %dma_start3A_53 = tpu.memref_squeeze %dma_start3A_52 : memref<1x128x128xf32, #tpu.memory_space<vmem>> -> memref<128x128xf32, #tpu.memory_space<vmem>>
    %dma_start3A_54 = arith.constant 0 : i32
    %dma_start3A_55 = tpu.memref_slice %arg7[%add3A_48, %dma_start3A_54] : memref<10112x128xf32, #tpu.memory_space<vmem_shared>> -> memref<128x128xf32, #tpu.memory_space<vmem_shared>>
    %dma_start3A_56 = arith.constant 0 : i32
    %dma_start3A_57 = tpu.memref_slice %arg7[%add3A_48, %dma_start3A_56] : memref<10112x128xf32, #tpu.memory_space<vmem_shared>> -> memref<128x128xf32, #tpu.memory_space<vmem_shared>>
    %dma_start3A_58 = arith.constant 0 : i32
    %dma_start3A_59 = arith.constant 0 : i32
    %dma_start3A_60 = tpu.memref_slice %arg10[%dma_start3A_49, %dma_start3A_58, %dma_start3A_59] : memref<2x128x128xf32, #tpu.memory_space<vmem>> -> memref<1x128x128xf32, #tpu.memory_space<vmem>>
    %dma_start3A_61 = tpu.memref_squeeze %dma_start3A_60 : memref<1x128x128xf32, #tpu.memory_space<vmem>> -> memref<128x128xf32, #tpu.memory_space<vmem>>
    tpu.enqueue_dma source(%dma_start3A_61 : memref<128x128xf32, #tpu.memory_space<vmem>>) target(%dma_start3A_57 : memref<128x128xf32, #tpu.memory_space<vmem_shared>>) target_semaphore(%arg13 : memref<!tpu.dma_semaphore, #tpu.memory_space<semaphore_mem>>)
    %add3A_62 = arith.constant 512 : i32
    %add3A_63 = arith.addi %mul3A_2, %add3A_62 : i32
    %dma_start3A_64 = arith.constant 0 : i32
    %dma_start3A_65 = arith.constant 0 : i32
    %dma_start3A_66 = arith.constant 0 : i32
    %dma_start3A_67 = tpu.memref_slice %arg10[%dma_start3A_64, %dma_start3A_65, %dma_start3A_66] : memref<2x128x128xf32, #tpu.memory_space<vmem>> -> memref<1x120x128xf32, #tpu.memory_space<vmem>>
    %dma_start3A_68 = tpu.memref_squeeze %dma_start3A_67 : memref<1x120x128xf32, #tpu.memory_space<vmem>> -> memref<120x128xf32, #tpu.memory_space<vmem>>
    %dma_start3A_69 = arith.constant 0 : i32
    %dma_start3A_70 = tpu.memref_slice %arg7[%add3A_63, %dma_start3A_69] : memref<10112x128xf32, #tpu.memory_space<vmem_shared>> -> memref<120x128xf32, #tpu.memory_space<vmem_shared>>
    %dma_start3A_71 = arith.constant 0 : i32
    %dma_start3A_72 = tpu.memref_slice %arg7[%add3A_63, %dma_start3A_71] : memref<10112x128xf32, #tpu.memory_space<vmem_shared>> -> memref<120x128xf32, #tpu.memory_space<vmem_shared>>
    %dma_start3A_73 = arith.constant 0 : i32
    %dma_start3A_74 = arith.constant 0 : i32
    %dma_start3A_75 = tpu.memref_slice %arg10[%dma_start3A_64, %dma_start3A_73, %dma_start3A_74] : memref<2x128x128xf32, #tpu.memory_space<vmem>> -> memref<1x120x128xf32, #tpu.memory_space<vmem>>
    %dma_start3A_76 = tpu.memref_squeeze %dma_start3A_75 : memref<1x120x128xf32, #tpu.memory_space<vmem>> -> memref<120x128xf32, #tpu.memory_space<vmem>>
    tpu.enqueue_dma source(%dma_start3A_76 : memref<120x128xf32, #tpu.memory_space<vmem>>) target(%dma_start3A_72 : memref<120x128xf32, #tpu.memory_space<vmem_shared>>) target_semaphore(%arg13 : memref<!tpu.dma_semaphore, #tpu.memory_space<semaphore_mem>>)
    %add3A_77 = arith.constant 0 : i32
    %add3A_78 = arith.addi %mul3A_2, %add3A_77 : i32
    %dma_wait3A = arith.constant 0 : i32
    %dma_wait3A_79 = arith.constant 0 : i32
    %dma_wait3A_80 = arith.constant 0 : i32
    %dma_wait3A_81 = tpu.memref_slice %arg10[%dma_wait3A, %dma_wait3A_79, %dma_wait3A_80] : memref<2x128x128xf32, #tpu.memory_space<vmem>> -> memref<1x128x128xf32, #tpu.memory_space<vmem>>
    %dma_wait3A_82 = tpu.memref_squeeze %dma_wait3A_81 : memref<1x128x128xf32, #tpu.memory_space<vmem>> -> memref<128x128xf32, #tpu.memory_space<vmem>>
    %dma_wait3A_83 = arith.constant 0 : i32
    %dma_wait3A_84 = tpu.memref_slice %arg7[%add3A_78, %dma_wait3A_83] : memref<10112x128xf32, #tpu.memory_space<vmem_shared>> -> memref<128x128xf32, #tpu.memory_space<vmem_shared>>
    %dma_wait3A_85 = arith.constant 0 : i32
    %dma_wait3A_86 = tpu.memref_slice %arg7[%add3A_78, %dma_wait3A_85] : memref<10112x128xf32, #tpu.memory_space<vmem_shared>> -> memref<128x128xf32, #tpu.memory_space<vmem_shared>>
    %dma_wait3A_87 = arith.constant 0 : i32
    %dma_wait3A_88 = arith.constant 0 : i32
    %dma_wait3A_89 = tpu.memref_slice %arg10[%dma_wait3A, %dma_wait3A_87, %dma_wait3A_88] : memref<2x128x128xf32, #tpu.memory_space<vmem>> -> memref<1x128x128xf32, #tpu.memory_space<vmem>>
    %dma_wait3A_90 = tpu.memref_squeeze %dma_wait3A_89 : memref<1x128x128xf32, #tpu.memory_space<vmem>> -> memref<128x128xf32, #tpu.memory_space<vmem>>
    tpu.wait_dma2 semaphore(%arg13 : memref<!tpu.dma_semaphore, #tpu.memory_space<semaphore_mem>>) src(%dma_wait3A_90 : memref<128x128xf32, #tpu.memory_space<vmem>>) dst(%dma_wait3A_86 : memref<128x128xf32, #tpu.memory_space<vmem_shared>>)
    %add3A_91 = arith.constant 128 : i32
    %add3A_92 = arith.addi %mul3A_2, %add3A_91 : i32
    %dma_wait3A_93 = arith.constant 0 : i32
    %dma_wait3A_94 = arith.constant 0 : i32
    %dma_wait3A_95 = arith.constant 0 : i32
    %dma_wait3A_96 = tpu.memref_slice %arg10[%dma_wait3A_93, %dma_wait3A_94, %dma_wait3A_95] : memref<2x128x128xf32, #tpu.memory_space<vmem>> -> memref<1x128x128xf32, #tpu.memory_space<vmem>>
    %dma_wait3A_97 = tpu.memref_squeeze %dma_wait3A_96 : memref<1x128x128xf32, #tpu.memory_space<vmem>> -> memref<128x128xf32, #tpu.memory_space<vmem>>
    %dma_wait3A_98 = arith.constant 0 : i32
    %dma_wait3A_99 = tpu.memref_slice %arg7[%add3A_92, %dma_wait3A_98] : memref<10112x128xf32, #tpu.memory_space<vmem_shared>> -> memref<128x128xf32, #tpu.memory_space<vmem_shared>>
    %dma_wait3A_100 = arith.constant 0 : i32
    %dma_wait3A_101 = tpu.memref_slice %arg7[%add3A_92, %dma_wait3A_100] : memref<10112x128xf32, #tpu.memory_space<vmem_shared>> -> memref<128x128xf32, #tpu.memory_space<vmem_shared>>
    %dma_wait3A_102 = arith.constant 0 : i32
    %dma_wait3A_103 = arith.constant 0 : i32
    %dma_wait3A_104 = tpu.memref_slice %arg10[%dma_wait3A_93, %dma_wait3A_102, %dma_wait3A_103] : memref<2x128x128xf32, #tpu.memory_space<vmem>> -> memref<1x128x128xf32, #tpu.memory_space<vmem>>
    %dma_wait3A_105 = tpu.memref_squeeze %dma_wait3A_104 : memref<1x128x128xf32, #tpu.memory_space<vmem>> -> memref<128x128xf32, #tpu.memory_space<vmem>>
    tpu.wait_dma2 semaphore(%arg13 : memref<!tpu.dma_semaphore, #tpu.memory_space<semaphore_mem>>) src(%dma_wait3A_105 : memref<128x128xf32, #tpu.memory_space<vmem>>) dst(%dma_wait3A_101 : memref<128x128xf32, #tpu.memory_space<vmem_shared>>)
    %add3A_106 = arith.constant 256 : i32
    %add3A_107 = arith.addi %mul3A_2, %add3A_106 : i32
    %dma_wait3A_108 = arith.constant 0 : i32
    %dma_wait3A_109 = arith.constant 0 : i32
    %dma_wait3A_110 = arith.constant 0 : i32
    %dma_wait3A_111 = tpu.memref_slice %arg10[%dma_wait3A_108, %dma_wait3A_109, %dma_wait3A_110] : memref<2x128x128xf32, #tpu.memory_space<vmem>> -> memref<1x128x128xf32, #tpu.memory_space<vmem>>
    %dma_wait3A_112 = tpu.memref_squeeze %dma_wait3A_111 : memref<1x128x128xf32, #tpu.memory_space<vmem>> -> memref<128x128xf32, #tpu.memory_space<vmem>>
    %dma_wait3A_113 = arith.constant 0 : i32
    %dma_wait3A_114 = tpu.memref_slice %arg7[%add3A_107, %dma_wait3A_113] : memref<10112x128xf32, #tpu.memory_space<vmem_shared>> -> memref<128x128xf32, #tpu.memory_space<vmem_shared>>
    %dma_wait3A_115 = arith.constant 0 : i32
    %dma_wait3A_116 = tpu.memref_slice %arg7[%add3A_107, %dma_wait3A_115] : memref<10112x128xf32, #tpu.memory_space<vmem_shared>> -> memref<128x128xf32, #tpu.memory_space<vmem_shared>>
    %dma_wait3A_117 = arith.constant 0 : i32
    %dma_wait3A_118 = arith.constant 0 : i32
    %dma_wait3A_119 = tpu.memref_slice %arg10[%dma_wait3A_108, %dma_wait3A_117, %dma_wait3A_118] : memref<2x128x128xf32, #tpu.memory_space<vmem>> -> memref<1x128x128xf32, #tpu.memory_space<vmem>>
    %dma_wait3A_120 = tpu.memref_squeeze %dma_wait3A_119 : memref<1x128x128xf32, #tpu.memory_space<vmem>> -> memref<128x128xf32, #tpu.memory_space<vmem>>
    tpu.wait_dma2 semaphore(%arg13 : memref<!tpu.dma_semaphore, #tpu.memory_space<semaphore_mem>>) src(%dma_wait3A_120 : memref<128x128xf32, #tpu.memory_space<vmem>>) dst(%dma_wait3A_116 : memref<128x128xf32, #tpu.memory_space<vmem_shared>>)
    %add3A_121 = arith.constant 384 : i32
    %add3A_122 = arith.addi %mul3A_2, %add3A_121 : i32
    %dma_wait3A_123 = arith.constant 0 : i32
    %dma_wait3A_124 = arith.constant 0 : i32
    %dma_wait3A_125 = arith.constant 0 : i32
    %dma_wait3A_126 = tpu.memref_slice %arg10[%dma_wait3A_123, %dma_wait3A_124, %dma_wait3A_125] : memref<2x128x128xf32, #tpu.memory_space<vmem>> -> memref<1x128x128xf32, #tpu.memory_space<vmem>>
    %dma_wait3A_127 = tpu.memref_squeeze %dma_wait3A_126 : memref<1x128x128xf32, #tpu.memory_space<vmem>> -> memref<128x128xf32, #tpu.memory_space<vmem>>
    %dma_wait3A_128 = arith.constant 0 : i32
    %dma_wait3A_129 = tpu.memref_slice %arg7[%add3A_122, %dma_wait3A_128] : memref<10112x128xf32, #tpu.memory_space<vmem_shared>> -> memref<128x128xf32, #tpu.memory_space<vmem_shared>>
    %dma_wait3A_130 = arith.constant 0 : i32
    %dma_wait3A_131 = tpu.memref_slice %arg7[%add3A_122, %dma_wait3A_130] : memref<10112x128xf32, #tpu.memory_space<vmem_shared>> -> memref<128x128xf32, #tpu.memory_space<vmem_shared>>
    %dma_wait3A_132 = arith.constant 0 : i32
    %dma_wait3A_133 = arith.constant 0 : i32
    %dma_wait3A_134 = tpu.memref_slice %arg10[%dma_wait3A_123, %dma_wait3A_132, %dma_wait3A_133] : memref<2x128x128xf32, #tpu.memory_space<vmem>> -> memref<1x128x128xf32, #tpu.memory_space<vmem>>
    %dma_wait3A_135 = tpu.memref_squeeze %dma_wait3A_134 : memref<1x128x128xf32, #tpu.memory_space<vmem>> -> memref<128x128xf32, #tpu.memory_space<vmem>>
    tpu.wait_dma2 semaphore(%arg13 : memref<!tpu.dma_semaphore, #tpu.memory_space<semaphore_mem>>) src(%dma_wait3A_135 : memref<128x128xf32, #tpu.memory_space<vmem>>) dst(%dma_wait3A_131 : memref<128x128xf32, #tpu.memory_space<vmem_shared>>)
    %add3A_136 = arith.constant 512 : i32
    %add3A_137 = arith.addi %mul3A_2, %add3A_136 : i32
    %dma_wait3A_138 = arith.constant 0 : i32
    %dma_wait3A_139 = arith.constant 0 : i32
    %dma_wait3A_140 = arith.constant 0 : i32
    %dma_wait3A_141 = tpu.memref_slice %arg10[%dma_wait3A_138, %dma_wait3A_139, %dma_wait3A_140] : memref<2x128x128xf32, #tpu.memory_space<vmem>> -> memref<1x120x128xf32, #tpu.memory_space<vmem>>
    %dma_wait3A_142 = tpu.memref_squeeze %dma_wait3A_141 : memref<1x120x128xf32, #tpu.memory_space<vmem>> -> memref<120x128xf32, #tpu.memory_space<vmem>>
    %dma_wait3A_143 = arith.constant 0 : i32
    %dma_wait3A_144 = tpu.memref_slice %arg7[%add3A_137, %dma_wait3A_143] : memref<10112x128xf32, #tpu.memory_space<vmem_shared>> -> memref<120x128xf32, #tpu.memory_space<vmem_shared>>
    %dma_wait3A_145 = arith.constant 0 : i32
    %dma_wait3A_146 = tpu.memref_slice %arg7[%add3A_137, %dma_wait3A_145] : memref<10112x128xf32, #tpu.memory_space<vmem_shared>> -> memref<120x128xf32, #tpu.memory_space<vmem_shared>>
    %dma_wait3A_147 = arith.constant 0 : i32
    %dma_wait3A_148 = arith.constant 0 : i32
    %dma_wait3A_149 = tpu.memref_slice %arg10[%dma_wait3A_138, %dma_wait3A_147, %dma_wait3A_148] : memref<2x128x128xf32, #tpu.memory_space<vmem>> -> memref<1x120x128xf32, #tpu.memory_space<vmem>>
    %dma_wait3A_150 = tpu.memref_squeeze %dma_wait3A_149 : memref<1x120x128xf32, #tpu.memory_space<vmem>> -> memref<120x128xf32, #tpu.memory_space<vmem>>
    tpu.wait_dma2 semaphore(%arg13 : memref<!tpu.dma_semaphore, #tpu.memory_space<semaphore_mem>>) src(%dma_wait3A_150 : memref<120x128xf32, #tpu.memory_space<vmem>>) dst(%dma_wait3A_146 : memref<120x128xf32, #tpu.memory_space<vmem_shared>>)
    %barrier3A = arith.constant 0 : index
    tpu.barrier barrier_id(%barrier3A)
    %iota3A = tpu.iota {dimensions = array<i32: 0>} : vector<16xi32>
    %add3A_151 = arith.constant 10000 : i32
    %add3A_152 = vector.broadcast %add3A_151 : i32 to vector<16xi32>
    %add3A_153 = arith.addi %add3A_152, %iota3A : vector<16xi32>
    %swap3A = arith.constant 0 : index
    %swap3A_154 = tpu.vector_load %arg11[%swap3A] {strides = array<i32>} : memref<128xi32, #tpu.memory_space<vmem>>, vector<16xi32>,
    %swap3A_155 = vector.shape_cast %swap3A_154 : vector<16xi32> to vector<16xi32>
    %swap3A_156 = vector.shape_cast %add3A_153 : vector<16xi32> to vector<16xi32>
    tpu.vector_store %arg11[%swap3A], %swap3A_156 {strides = array<i32>} : memref<128xi32, #tpu.memory_space<vmem>>, vector<16xi32>,
    %iota3A_157 = tpu.iota {dimensions = array<i32: 0>} : vector<16xi32>
    %add3A_158 = arith.constant 10012 : i32
    %add3A_159 = vector.broadcast %add3A_158 : i32 to vector<16xi32>
    %add3A_160 = arith.addi %add3A_159, %iota3A_157 : vector<16xi32>
    %swap3A_161 = arith.constant 16 : index
    %swap3A_162 = tpu.vector_load %arg11[%swap3A_161] {strides = array<i32>} : memref<128xi32, #tpu.memory_space<vmem>>, vector<16xi32>,
    %swap3A_163 = vector.shape_cast %swap3A_162 : vector<16xi32> to vector<16xi32>
    %swap3A_164 = vector.shape_cast %add3A_160 : vector<16xi32> to vector<16xi32>
    tpu.vector_store %arg11[%swap3A_161], %swap3A_164 {strides = array<i32>} : memref<128xi32, #tpu.memory_space<vmem>>, vector<16xi32>,
    %iota3A_165 = tpu.iota {dimensions = array<i32: 0>} : vector<16xi32>
    %add3A_166 = arith.constant 10024 : i32
    %add3A_167 = vector.broadcast %add3A_166 : i32 to vector<16xi32>
    %add3A_168 = arith.addi %add3A_167, %iota3A_165 : vector<16xi32>
    %swap3A_169 = arith.constant 32 : index
    %swap3A_170 = tpu.vector_load %arg11[%swap3A_169] {strides = array<i32>} : memref<128xi32, #tpu.memory_space<vmem>>, vector<16xi32>,
    %swap3A_171 = vector.shape_cast %swap3A_170 : vector<16xi32> to vector<16xi32>
    %swap3A_172 = vector.shape_cast %add3A_168 : vector<16xi32> to vector<16xi32>
    tpu.vector_store %arg11[%swap3A_169], %swap3A_172 {strides = array<i32>} : memref<128xi32, #tpu.memory_space<vmem>>, vector<16xi32>,
    %iota3A_173 = tpu.iota {dimensions = array<i32: 0>} : vector<16xi32>
    %add3A_174 = arith.constant 10036 : i32
    %add3A_175 = vector.broadcast %add3A_174 : i32 to vector<16xi32>
    %add3A_176 = arith.addi %add3A_175, %iota3A_173 : vector<16xi32>
    %swap3A_177 = arith.constant 48 : index
    %swap3A_178 = tpu.vector_load %arg11[%swap3A_177] {strides = array<i32>} : memref<128xi32, #tpu.memory_space<vmem>>, vector<16xi32>,
    %swap3A_179 = vector.shape_cast %swap3A_178 : vector<16xi32> to vector<16xi32>
    %swap3A_180 = vector.shape_cast %add3A_176 : vector<16xi32> to vector<16xi32>
    tpu.vector_store %arg11[%swap3A_177], %swap3A_180 {strides = array<i32>} : memref<128xi32, #tpu.memory_space<vmem>>, vector<16xi32>,
    %iota3A_181 = tpu.iota {dimensions = array<i32: 0>} : vector<16xi32>
    %add3A_182 = arith.constant 10048 : i32
    %add3A_183 = vector.broadcast %add3A_182 : i32 to vector<16xi32>
    %add3A_184 = arith.addi %add3A_183, %iota3A_181 : vector<16xi32>
    %swap3A_185 = arith.constant 64 : index
    %swap3A_186 = tpu.vector_load %arg11[%swap3A_185] {strides = array<i32>} : memref<128xi32, #tpu.memory_space<vmem>>, vector<16xi32>,
    %swap3A_187 = vector.shape_cast %swap3A_186 : vector<16xi32> to vector<16xi32>
    %swap3A_188 = vector.shape_cast %add3A_184 : vector<16xi32> to vector<16xi32>
    tpu.vector_store %arg11[%swap3A_185], %swap3A_188 {strides = array<i32>} : memref<128xi32, #tpu.memory_space<vmem>>, vector<16xi32>,
    %iota3A_189 = tpu.iota {dimensions = array<i32: 0>} : vector<16xi32>
    %add3A_190 = arith.constant 10060 : i32
    %add3A_191 = vector.broadcast %add3A_190 : i32 to vector<16xi32>
    %add3A_192 = arith.addi %add3A_191, %iota3A_189 : vector<16xi32>
    %swap3A_193 = arith.constant 80 : index
    %swap3A_194 = tpu.vector_load %arg11[%swap3A_193] {strides = array<i32>} : memref<128xi32, #tpu.memory_space<vmem>>, vector<16xi32>,
    %swap3A_195 = vector.shape_cast %swap3A_194 : vector<16xi32> to vector<16xi32>
    %swap3A_196 = vector.shape_cast %add3A_192 : vector<16xi32> to vector<16xi32>
    tpu.vector_store %arg11[%swap3A_193], %swap3A_196 {strides = array<i32>} : memref<128xi32, #tpu.memory_space<vmem>>, vector<16xi32>,
    %iota3A_197 = tpu.iota {dimensions = array<i32: 0>} : vector<16xi32>
    %add3A_198 = arith.constant 10072 : i32
    %add3A_199 = vector.broadcast %add3A_198 : i32 to vector<16xi32>
    %add3A_200 = arith.addi %add3A_199, %iota3A_197 : vector<16xi32>
    %swap3A_201 = arith.constant 96 : index
    %swap3A_202 = tpu.vector_load %arg11[%swap3A_201] {strides = array<i32>} : memref<128xi32, #tpu.memory_space<vmem>>, vector<16xi32>,
    %swap3A_203 = vector.shape_cast %swap3A_202 : vector<16xi32> to vector<16xi32>
    %swap3A_204 = vector.shape_cast %add3A_200 : vector<16xi32> to vector<16xi32>
    tpu.vector_store %arg11[%swap3A_201], %swap3A_204 {strides = array<i32>} : memref<128xi32, #tpu.memory_space<vmem>>, vector<16xi32>,
    %iota3A_205 = tpu.iota {dimensions = array<i32: 0>} : vector<16xi32>
    %add3A_206 = arith.constant 10084 : i32
    %add3A_207 = vector.broadcast %add3A_206 : i32 to vector<16xi32>
    %add3A_208 = arith.addi %add3A_207, %iota3A_205 : vector<16xi32>
    %swap3A_209 = arith.constant 112 : index
    %swap3A_210 = tpu.vector_load %arg11[%swap3A_209] {strides = array<i32>} : memref<128xi32, #tpu.memory_space<vmem>>, vector<16xi32>,
    %swap3A_211 = vector.shape_cast %swap3A_210 : vector<16xi32> to vector<16xi32>
    %swap3A_212 = vector.shape_cast %add3A_208 : vector<16xi32> to vector<16xi32>
    tpu.vector_store %arg11[%swap3A_209], %swap3A_212 {strides = array<i32>} : memref<128xi32, #tpu.memory_space<vmem>>, vector<16xi32>,
    %mul3A_213 = arith.constant 2 : i32
    %mul3A_214 = arith.muli %add3A, %mul3A_213 : i32
    %add3A_215 = arith.constant 0 : i32
    %add3A_216 = arith.addi %mul3A_214, %add3A_215 : i32
    "tpu.region"() ({
      %run_scoped3A_819 = tpu.sem_alloc : memref<!tpu.dma_semaphore, #tpu.memory_space<semaphore_mem>>
      %dma_start3A_820 = arith.constant 0 : i32
      %dma_start3A_821 = arith.constant 0 : i32
      %dma_start3A_822 = tpu.memref_slice %arg8[%dma_start3A_820, %dma_start3A_821] : memref<41x128xi32, #tpu.memory_space<vmem>> -> memref<40x128xi32, #tpu.memory_space<vmem>>
      %dma_start3A_823 = arith.constant 0 : i32
      %dma_start3A_824 = arith.constant 0 : i32
      %dma_start3A_825 = tpu.memref_slice %arg3[%add3A_216, %dma_start3A_823, %dma_start3A_824] : memref<64x40x128xi32, #tpu.memory_space<hbm>> -> memref<1x40x128xi32, #tpu.memory_space<hbm>>
      %dma_start3A_826 = tpu.memref_squeeze %dma_start3A_825 : memref<1x40x128xi32, #tpu.memory_space<hbm>> -> memref<40x128xi32, #tpu.memory_space<hbm>>
      %dma_start3A_827 = arith.constant 0 : i32
      %dma_start3A_828 = arith.constant 0 : i32
      %dma_start3A_829 = tpu.memref_slice %arg8[%dma_start3A_827, %dma_start3A_828] : memref<41x128xi32, #tpu.memory_space<vmem>> -> memref<40x128xi32, #tpu.memory_space<vmem>>
      %dma_start3A_830 = arith.constant 0 : i32
      %dma_start3A_831 = arith.constant 0 : i32
      %dma_start3A_832 = tpu.memref_slice %arg3[%add3A_216, %dma_start3A_830, %dma_start3A_831] : memref<64x40x128xi32, #tpu.memory_space<hbm>> -> memref<1x40x128xi32, #tpu.memory_space<hbm>>
      %dma_start3A_833 = tpu.memref_squeeze %dma_start3A_832 : memref<1x40x128xi32, #tpu.memory_space<hbm>> -> memref<40x128xi32, #tpu.memory_space<hbm>>
      tpu.enqueue_dma source(%dma_start3A_833 : memref<40x128xi32, #tpu.memory_space<hbm>>) target(%dma_start3A_829 : memref<40x128xi32, #tpu.memory_space<vmem>>) target_semaphore(%run_scoped3A_819 : memref<!tpu.dma_semaphore, #tpu.memory_space<semaphore_mem>>)
      %dma_wait3A_834 = arith.constant 0 : i32
      %dma_wait3A_835 = arith.constant 0 : i32
      %dma_wait3A_836 = tpu.memref_slice %arg8[%dma_wait3A_834, %dma_wait3A_835] : memref<41x128xi32, #tpu.memory_space<vmem>> -> memref<40x128xi32, #tpu.memory_space<vmem>>
      %dma_wait3A_837 = arith.constant 0 : i32
      %dma_wait3A_838 = arith.constant 0 : i32
      %dma_wait3A_839 = tpu.memref_slice %arg3[%add3A_216, %dma_wait3A_837, %dma_wait3A_838] : memref<64x40x128xi32, #tpu.memory_space<hbm>> -> memref<1x40x128xi32, #tpu.memory_space<hbm>>
      %dma_wait3A_840 = tpu.memref_squeeze %dma_wait3A_839 : memref<1x40x128xi32, #tpu.memory_space<hbm>> -> memref<40x128xi32, #tpu.memory_space<hbm>>
      %dma_wait3A_841 = arith.constant 0 : i32
      %dma_wait3A_842 = arith.constant 0 : i32
      %dma_wait3A_843 = tpu.memref_slice %arg8[%dma_wait3A_841, %dma_wait3A_842] : memref<41x128xi32, #tpu.memory_space<vmem>> -> memref<40x128xi32, #tpu.memory_space<vmem>>
      %dma_wait3A_844 = arith.constant 0 : i32
      %dma_wait3A_845 = arith.constant 0 : i32
      %dma_wait3A_846 = tpu.memref_slice %arg3[%add3A_216, %dma_wait3A_844, %dma_wait3A_845] : memref<64x40x128xi32, #tpu.memory_space<hbm>> -> memref<1x40x128xi32, #tpu.memory_space<hbm>>
      %dma_wait3A_847 = tpu.memref_squeeze %dma_wait3A_846 : memref<1x40x128xi32, #tpu.memory_space<hbm>> -> memref<40x128xi32, #tpu.memory_space<hbm>>
      tpu.wait_dma2 semaphore(%run_scoped3A_819 : memref<!tpu.dma_semaphore, #tpu.memory_space<semaphore_mem>>) src(%dma_wait3A_847 : memref<40x128xi32, #tpu.memory_space<hbm>>) dst(%dma_wait3A_843 : memref<40x128xi32, #tpu.memory_space<vmem>>)
      tpu.yield
    }) : () -> ()
    %mul3A_217 = arith.constant 2 : i32
    %mul3A_218 = arith.muli %add3A, %mul3A_217 : i32
    %add3A_219 = arith.constant 0 : i32
    %add3A_220 = arith.addi %mul3A_218, %add3A_219 : i32
    "tpu.region"() ({
      %run_scoped3A_819 = tpu.sem_alloc : memref<!tpu.dma_semaphore, #tpu.memory_space<semaphore_mem>>
      %dma_start3A_820 = arith.constant 0 : i32
      %dma_start3A_821 = arith.constant 0 : i32
      %dma_start3A_822 = tpu.memref_slice %arg4[%add3A_220, %dma_start3A_820, %dma_start3A_821] : memref<64x40x128xi32, #tpu.memory_space<hbm>> -> memref<1x40x128xi32, #tpu.memory_space<hbm>>
      %dma_start3A_823 = tpu.memref_squeeze %dma_start3A_822 : memref<1x40x128xi32, #tpu.memory_space<hbm>> -> memref<40x128xi32, #tpu.memory_space<hbm>>
      %dma_start3A_824 = arith.constant 0 : i32
      %dma_start3A_825 = arith.constant 0 : i32
      %dma_start3A_826 = tpu.memref_slice %arg4[%add3A_220, %dma_start3A_824, %dma_start3A_825] : memref<64x40x128xi32, #tpu.memory_space<hbm>> -> memref<1x40x128xi32, #tpu.memory_space<hbm>>
      %dma_start3A_827 = tpu.memref_squeeze %dma_start3A_826 : memref<1x40x128xi32, #tpu.memory_space<hbm>> -> memref<40x128xi32, #tpu.memory_space<hbm>>
      tpu.enqueue_dma source(%dma_start3A_827 : memref<40x128xi32, #tpu.memory_space<hbm>>) target(%arg9 : memref<40x128xi32, #tpu.memory_space<vmem>>) target_semaphore(%run_scoped3A_819 : memref<!tpu.dma_semaphore, #tpu.memory_space<semaphore_mem>>)
      %dma_wait3A_828 = arith.constant 0 : i32
      %dma_wait3A_829 = arith.constant 0 : i32
      %dma_wait3A_830 = tpu.memref_slice %arg4[%add3A_220, %dma_wait3A_828, %dma_wait3A_829] : memref<64x40x128xi32, #tpu.memory_space<hbm>> -> memref<1x40x128xi32, #tpu.memory_space<hbm>>
      %dma_wait3A_831 = tpu.memref_squeeze %dma_wait3A_830 : memref<1x40x128xi32, #tpu.memory_space<hbm>> -> memref<40x128xi32, #tpu.memory_space<hbm>>
      %dma_wait3A_832 = arith.constant 0 : i32
      %dma_wait3A_833 = arith.constant 0 : i32
      %dma_wait3A_834 = tpu.memref_slice %arg4[%add3A_220, %dma_wait3A_832, %dma_wait3A_833] : memref<64x40x128xi32, #tpu.memory_space<hbm>> -> memref<1x40x128xi32, #tpu.memory_space<hbm>>
      %dma_wait3A_835 = tpu.memref_squeeze %dma_wait3A_834 : memref<1x40x128xi32, #tpu.memory_space<hbm>> -> memref<40x128xi32, #tpu.memory_space<hbm>>
      tpu.wait_dma2 semaphore(%run_scoped3A_819 : memref<!tpu.dma_semaphore, #tpu.memory_space<semaphore_mem>>) src(%dma_wait3A_835 : memref<40x128xi32, #tpu.memory_space<hbm>>) dst(%arg9 : memref<40x128xi32, #tpu.memory_space<vmem>>)
      tpu.yield
    }) : () -> ()
    %get3A = arith.constant 0 : i32
    %get3A_221 = arith.index_cast %get3A : i32 to index
    %get3A_222 = arith.constant 0 : index
    %get3A_223 = tpu.vector_load %arg8[%get3A_221, %get3A_222] {strides = array<i32>} : memref<41x128xi32, #tpu.memory_space<vmem>>, vector<1x16xi32>,
    %get3A_224 = vector.shape_cast %get3A_223 : vector<1x16xi32> to vector<16xi32>
    %swap3A_225 = arith.constant 40 : i32
    %swap3A_226 = arith.index_cast %swap3A_225 : i32 to index
    %swap3A_227 = arith.constant 0 : index
    %swap3A_228 = tpu.vector_load %arg8[%swap3A_226, %swap3A_227] {strides = array<i32>} : memref<41x128xi32, #tpu.memory_space<vmem>>, vector<1x16xi32>,
    %swap3A_229 = vector.shape_cast %swap3A_228 : vector<1x16xi32> to vector<16xi32>
    %swap3A_230 = vector.shape_cast %get3A_224 : vector<16xi32> to vector<1x16xi32>
    tpu.vector_store %arg8[%swap3A_226, %swap3A_227], %swap3A_230 {strides = array<i32>} : memref<41x128xi32, #tpu.memory_space<vmem>>, vector<1x16xi32>,
    %get3A_231 = arith.constant 0 : i32
    %get3A_232 = arith.index_cast %get3A_231 : i32 to index
    %get3A_233 = arith.constant 16 : index
    %get3A_234 = tpu.vector_load %arg8[%get3A_232, %get3A_233] {strides = array<i32>} : memref<41x128xi32, #tpu.memory_space<vmem>>, vector<1x16xi32>,
    %get3A_235 = vector.shape_cast %get3A_234 : vector<1x16xi32> to vector<16xi32>
    %swap3A_236 = arith.constant 40 : i32
    %swap3A_237 = arith.index_cast %swap3A_236 : i32 to index
    %swap3A_238 = arith.constant 16 : index
    %swap3A_239 = tpu.vector_load %arg8[%swap3A_237, %swap3A_238] {strides = array<i32>} : memref<41x128xi32, #tpu.memory_space<vmem>>, vector<1x16xi32>,
    %swap3A_240 = vector.shape_cast %swap3A_239 : vector<1x16xi32> to vector<16xi32>
    %swap3A_241 = vector.shape_cast %get3A_235 : vector<16xi32> to vector<1x16xi32>
    tpu.vector_store %arg8[%swap3A_237, %swap3A_238], %swap3A_241 {strides = array<i32>} : memref<41x128xi32, #tpu.memory_space<vmem>>, vector<1x16xi32>,
    %get3A_242 = arith.constant 0 : i32
    %get3A_243 = arith.index_cast %get3A_242 : i32 to index
    %get3A_244 = arith.constant 32 : index
    %get3A_245 = tpu.vector_load %arg8[%get3A_243, %get3A_244] {strides = array<i32>} : memref<41x128xi32, #tpu.memory_space<vmem>>, vector<1x16xi32>,
    %get3A_246 = vector.shape_cast %get3A_245 : vector<1x16xi32> to vector<16xi32>
    %swap3A_247 = arith.constant 40 : i32
    %swap3A_248 = arith.index_cast %swap3A_247 : i32 to index
    %swap3A_249 = arith.constant 32 : index
    %swap3A_250 = tpu.vector_load %arg8[%swap3A_248, %swap3A_249] {strides = array<i32>} : memref<41x128xi32, #tpu.memory_space<vmem>>, vector<1x16xi32>,
    %swap3A_251 = vector.shape_cast %swap3A_250 : vector<1x16xi32> to vector<16xi32>
    %swap3A_252 = vector.shape_cast %get3A_246 : vector<16xi32> to vector<1x16xi32>
    tpu.vector_store %arg8[%swap3A_248, %swap3A_249], %swap3A_252 {strides = array<i32>} : memref<41x128xi32, #tpu.memory_space<vmem>>, vector<1x16xi32>,
    %get3A_253 = arith.constant 0 : i32
    %get3A_254 = arith.index_cast %get3A_253 : i32 to index
    %get3A_255 = arith.constant 48 : index
    %get3A_256 = tpu.vector_load %arg8[%get3A_254, %get3A_255] {strides = array<i32>} : memref<41x128xi32, #tpu.memory_space<vmem>>, vector<1x16xi32>,
    %get3A_257 = vector.shape_cast %get3A_256 : vector<1x16xi32> to vector<16xi32>
    %swap3A_258 = arith.constant 40 : i32
    %swap3A_259 = arith.index_cast %swap3A_258 : i32 to index
    %swap3A_260 = arith.constant 48 : index
    %swap3A_261 = tpu.vector_load %arg8[%swap3A_259, %swap3A_260] {strides = array<i32>} : memref<41x128xi32, #tpu.memory_space<vmem>>, vector<1x16xi32>,
    %swap3A_262 = vector.shape_cast %swap3A_261 : vector<1x16xi32> to vector<16xi32>
    %swap3A_263 = vector.shape_cast %get3A_257 : vector<16xi32> to vector<1x16xi32>
    tpu.vector_store %arg8[%swap3A_259, %swap3A_260], %swap3A_263 {strides = array<i32>} : memref<41x128xi32, #tpu.memory_space<vmem>>, vector<1x16xi32>,
    %get3A_264 = arith.constant 0 : i32
    %get3A_265 = arith.index_cast %get3A_264 : i32 to index
    %get3A_266 = arith.constant 64 : index
    %get3A_267 = tpu.vector_load %arg8[%get3A_265, %get3A_266] {strides = array<i32>} : memref<41x128xi32, #tpu.memory_space<vmem>>, vector<1x16xi32>,
    %get3A_268 = vector.shape_cast %get3A_267 : vector<1x16xi32> to vector<16xi32>
    %swap3A_269 = arith.constant 40 : i32
    %swap3A_270 = arith.index_cast %swap3A_269 : i32 to index
    %swap3A_271 = arith.constant 64 : index
    %swap3A_272 = tpu.vector_load %arg8[%swap3A_270, %swap3A_271] {strides = array<i32>} : memref<41x128xi32, #tpu.memory_space<vmem>>, vector<1x16xi32>,
    %swap3A_273 = vector.shape_cast %swap3A_272 : vector<1x16xi32> to vector<16xi32>
    %swap3A_274 = vector.shape_cast %get3A_268 : vector<16xi32> to vector<1x16xi32>
    tpu.vector_store %arg8[%swap3A_270, %swap3A_271], %swap3A_274 {strides = array<i32>} : memref<41x128xi32, #tpu.memory_space<vmem>>, vector<1x16xi32>,
    %get3A_275 = arith.constant 0 : i32
    %get3A_276 = arith.index_cast %get3A_275 : i32 to index
    %get3A_277 = arith.constant 80 : index
    %get3A_278 = tpu.vector_load %arg8[%get3A_276, %get3A_277] {strides = array<i32>} : memref<41x128xi32, #tpu.memory_space<vmem>>, vector<1x16xi32>,
    %get3A_279 = vector.shape_cast %get3A_278 : vector<1x16xi32> to vector<16xi32>
    %swap3A_280 = arith.constant 40 : i32
    %swap3A_281 = arith.index_cast %swap3A_280 : i32 to index
    %swap3A_282 = arith.constant 80 : index
    %swap3A_283 = tpu.vector_load %arg8[%swap3A_281, %swap3A_282] {strides = array<i32>} : memref<41x128xi32, #tpu.memory_space<vmem>>, vector<1x16xi32>,
    %swap3A_284 = vector.shape_cast %swap3A_283 : vector<1x16xi32> to vector<16xi32>
    %swap3A_285 = vector.shape_cast %get3A_279 : vector<16xi32> to vector<1x16xi32>
    tpu.vector_store %arg8[%swap3A_281, %swap3A_282], %swap3A_285 {strides = array<i32>} : memref<41x128xi32, #tpu.memory_space<vmem>>, vector<1x16xi32>,
    %get3A_286 = arith.constant 0 : i32
    %get3A_287 = arith.index_cast %get3A_286 : i32 to index
    %get3A_288 = arith.constant 96 : index
    %get3A_289 = tpu.vector_load %arg8[%get3A_287, %get3A_288] {strides = array<i32>} : memref<41x128xi32, #tpu.memory_space<vmem>>, vector<1x16xi32>,
    %get3A_290 = vector.shape_cast %get3A_289 : vector<1x16xi32> to vector<16xi32>
    %swap3A_291 = arith.constant 40 : i32
    %swap3A_292 = arith.index_cast %swap3A_291 : i32 to index
    %swap3A_293 = arith.constant 96 : index
    %swap3A_294 = tpu.vector_load %arg8[%swap3A_292, %swap3A_293] {strides = array<i32>} : memref<41x128xi32, #tpu.memory_space<vmem>>, vector<1x16xi32>,
    %swap3A_295 = vector.shape_cast %swap3A_294 : vector<1x16xi32> to vector<16xi32>
    %swap3A_296 = vector.shape_cast %get3A_290 : vector<16xi32> to vector<1x16xi32>
    tpu.vector_store %arg8[%swap3A_292, %swap3A_293], %swap3A_296 {strides = array<i32>} : memref<41x128xi32, #tpu.memory_space<vmem>>, vector<1x16xi32>,
    %get3A_297 = arith.constant 0 : i32
    %get3A_298 = arith.index_cast %get3A_297 : i32 to index
    %get3A_299 = arith.constant 112 : index
    %get3A_300 = tpu.vector_load %arg8[%get3A_298, %get3A_299] {strides = array<i32>} : memref<41x128xi32, #tpu.memory_space<vmem>>, vector<1x16xi32>,
    %get3A_301 = vector.shape_cast %get3A_300 : vector<1x16xi32> to vector<16xi32>
    %swap3A_302 = arith.constant 40 : i32
    %swap3A_303 = arith.index_cast %swap3A_302 : i32 to index
    %swap3A_304 = arith.constant 112 : index
    %swap3A_305 = tpu.vector_load %arg8[%swap3A_303, %swap3A_304] {strides = array<i32>} : memref<41x128xi32, #tpu.memory_space<vmem>>, vector<1x16xi32>,
    %swap3A_306 = vector.shape_cast %swap3A_305 : vector<1x16xi32> to vector<16xi32>
    %swap3A_307 = vector.shape_cast %get3A_301 : vector<16xi32> to vector<1x16xi32>
    tpu.vector_store %arg8[%swap3A_303, %swap3A_304], %swap3A_307 {strides = array<i32>} : memref<41x128xi32, #tpu.memory_space<vmem>>, vector<1x16xi32>,
    %dma_start3A_308 = arith.constant 0 : i32
    %dma_start3A_309 = arith.constant 0 : i32
    %dma_start3A_310 = arith.constant 0 : i32
    %dma_start3A_311 = arith.constant 0 : i32
    %dma_start3A_312 = tpu.memref_slice %arg10[%dma_start3A_309, %dma_start3A_310, %dma_start3A_311] : memref<2x128x128xf32, #tpu.memory_space<vmem>> -> memref<1x128x128xf32, #tpu.memory_space<vmem>>
    %dma_start3A_313 = tpu.memref_squeeze %dma_start3A_312 : memref<1x128x128xf32, #tpu.memory_space<vmem>> -> memref<128x128xf32, #tpu.memory_space<vmem>>
    %dma_start3A_314 = arith.constant 0 : i32
    %dma_start3A_315 = tpu.memref_slice %arg8[%dma_start3A_308, %dma_start3A_314] : memref<41x128xi32, #tpu.memory_space<vmem>> -> memref<1x128xi32, #tpu.memory_space<vmem>>
    %dma_start3A_316 = tpu.memref_squeeze %dma_start3A_315 : memref<1x128xi32, #tpu.memory_space<vmem>> -> memref<128xi32, #tpu.memory_space<vmem>>
    %dma_start3A_317 = arith.constant 0 : i32
    %dma_start3A_318 = arith.constant 0 : i32
    %dma_start3A_319 = tpu.memref_slice %arg2[%dma_start3A_317, %dma_start3A_318] : memref<10112x128xf32, #tpu.memory_space<hbm>> -> memref<10112x128xf32, #tpu.memory_space<hbm>>
    tpu.enqueue_indirect_dma source(%dma_start3A_319 : memref<10112x128xf32, #tpu.memory_space<hbm>>) target(%dma_start3A_313 : memref<128x128xf32, #tpu.memory_space<vmem>>) offsets(%dma_start3A_316 : memref<128xi32, #tpu.memory_space<vmem>>) semaphore(%arg12 : memref<!tpu.dma_semaphore, #tpu.memory_space<semaphore_mem>>)
    %dma_start3A_320 = arith.constant 1 : i32
    %dma_start3A_321 = arith.constant 0 : i32
    %dma_start3A_322 = arith.constant 0 : i32
    %dma_start3A_323 = tpu.memref_slice %arg10[%dma_start3A_320, %dma_start3A_321, %dma_start3A_322] : memref<2x128x128xf32, #tpu.memory_space<vmem>> -> memref<1x128x128xf32, #tpu.memory_space<vmem>>
    %dma_start3A_324 = tpu.memref_squeeze %dma_start3A_323 : memref<1x128x128xf32, #tpu.memory_space<vmem>> -> memref<128x128xf32, #tpu.memory_space<vmem>>
    %dma_start3A_325 = arith.constant 0 : i32
    %dma_start3A_326 = arith.constant 0 : i32
    %dma_start3A_327 = tpu.memref_slice %arg7[%dma_start3A_325, %dma_start3A_326] : memref<10112x128xf32, #tpu.memory_space<vmem_shared>> -> memref<10112x128xf32, #tpu.memory_space<vmem_shared>>
    tpu.enqueue_indirect_dma source(%dma_start3A_324 : memref<128x128xf32, #tpu.memory_space<vmem>>) target(%dma_start3A_327 : memref<10112x128xf32, #tpu.memory_space<vmem_shared>>) offsets(%arg11 : memref<128xi32, #tpu.memory_space<vmem>>) semaphore(%arg13 : memref<!tpu.dma_semaphore, #tpu.memory_space<semaphore_mem>>) {add = true}
    %scan3A = arith.constant 0 : i32
    %scan3A_328 = arith.constant 0 : i32
    %scan3A_329 = arith.constant 40 : i32
    %scan3A_330 = arith.addi %scan3A_328, %scan3A_329 : i32
    %scan3A_331 = arith.constant 1 : i32
    scf.for %scan3A_819 = %scan3A_328 to %scan3A_330 step %scan3A_331  : i32 {
      %rem3A_820 = arith.constant 2 : i32
      %rem3A_821 = arith.remsi %scan3A_819, %rem3A_820 : i32
      %sub3A = arith.constant 1 : i32
      %sub3A_822 = arith.subi %sub3A, %rem3A_821 : i32
      %dma_wait3A_823 = arith.constant 0 : i32
      %dma_wait3A_824 = arith.constant 0 : i32
      %dma_wait3A_825 = tpu.memref_slice %arg10[%sub3A_822, %dma_wait3A_823, %dma_wait3A_824] : memref<2x128x128xf32, #tpu.memory_space<vmem>> -> memref<1x128x128xf32, #tpu.memory_space<vmem>>
      %dma_wait3A_826 = tpu.memref_squeeze %dma_wait3A_825 : memref<1x128x128xf32, #tpu.memory_space<vmem>> -> memref<128x128xf32, #tpu.memory_space<vmem>>
      %dma_wait3A_827 = arith.constant 0 : i32
      %dma_wait3A_828 = arith.constant 0 : i32
      %dma_wait3A_829 = tpu.memref_slice %arg7[%dma_wait3A_827, %dma_wait3A_828] : memref<10112x128xf32, #tpu.memory_space<vmem_shared>> -> memref<10112x128xf32, #tpu.memory_space<vmem_shared>>
      tpu.wait_indirect_dma semaphore(%arg13 : memref<!tpu.dma_semaphore, #tpu.memory_space<semaphore_mem>>) src(%dma_wait3A_826 : memref<128x128xf32, #tpu.memory_space<vmem>>) dst(%dma_wait3A_829 : memref<10112x128xf32, #tpu.memory_space<vmem_shared>>)
      %dma_wait3A_830 = arith.constant 0 : i32
      %dma_wait3A_831 = arith.constant 0 : i32
      %dma_wait3A_832 = tpu.memref_slice %arg10[%rem3A_821, %dma_wait3A_830, %dma_wait3A_831] : memref<2x128x128xf32, #tpu.memory_space<vmem>> -> memref<1x128x128xf32, #tpu.memory_space<vmem>>
      %dma_wait3A_833 = tpu.memref_squeeze %dma_wait3A_832 : memref<1x128x128xf32, #tpu.memory_space<vmem>> -> memref<128x128xf32, #tpu.memory_space<vmem>>
      %dma_wait3A_834 = arith.constant 0 : i32
      %dma_wait3A_835 = tpu.memref_slice %arg8[%scan3A_819, %dma_wait3A_834] : memref<41x128xi32, #tpu.memory_space<vmem>> -> memref<1x128xi32, #tpu.memory_space<vmem>>
      %dma_wait3A_836 = tpu.memref_squeeze %dma_wait3A_835 : memref<1x128xi32, #tpu.memory_space<vmem>> -> memref<128xi32, #tpu.memory_space<vmem>>
      %dma_wait3A_837 = arith.constant 0 : i32
      %dma_wait3A_838 = arith.constant 0 : i32
      %dma_wait3A_839 = tpu.memref_slice %arg2[%dma_wait3A_837, %dma_wait3A_838] : memref<10112x128xf32, #tpu.memory_space<hbm>> -> memref<10112x128xf32, #tpu.memory_space<hbm>>
      tpu.wait_indirect_dma semaphore(%arg12 : memref<!tpu.dma_semaphore, #tpu.memory_space<semaphore_mem>>) src(%dma_wait3A_839 : memref<10112x128xf32, #tpu.memory_space<hbm>>) dst(%dma_wait3A_833 : memref<128x128xf32, #tpu.memory_space<vmem>>)
      %add3A_840 = arith.constant 1 : i32
      %add3A_841 = arith.addi %scan3A_819, %add3A_840 : i32
      %sub3A_842 = arith.constant 1 : i32
      %sub3A_843 = arith.subi %sub3A_842, %rem3A_821 : i32
      %dma_start3A_844 = arith.constant 0 : i32
      %dma_start3A_845 = arith.constant 0 : i32
      %dma_start3A_846 = tpu.memref_slice %arg10[%sub3A_843, %dma_start3A_844, %dma_start3A_845] : memref<2x128x128xf32, #tpu.memory_space<vmem>> -> memref<1x128x128xf32, #tpu.memory_space<vmem>>
      %dma_start3A_847 = tpu.memref_squeeze %dma_start3A_846 : memref<1x128x128xf32, #tpu.memory_space<vmem>> -> memref<128x128xf32, #tpu.memory_space<vmem>>
      %dma_start3A_848 = arith.constant 0 : i32
      %dma_start3A_849 = tpu.memref_slice %arg8[%add3A_841, %dma_start3A_848] : memref<41x128xi32, #tpu.memory_space<vmem>> -> memref<1x128xi32, #tpu.memory_space<vmem>>
      %dma_start3A_850 = tpu.memref_squeeze %dma_start3A_849 : memref<1x128xi32, #tpu.memory_space<vmem>> -> memref<128xi32, #tpu.memory_space<vmem>>
      %dma_start3A_851 = arith.constant 0 : i32
      %dma_start3A_852 = arith.constant 0 : i32
      %dma_start3A_853 = tpu.memref_slice %arg2[%dma_start3A_851, %dma_start3A_852] : memref<10112x128xf32, #tpu.memory_space<hbm>> -> memref<10112x128xf32, #tpu.memory_space<hbm>>
      tpu.enqueue_indirect_dma source(%dma_start3A_853 : memref<10112x128xf32, #tpu.memory_space<hbm>>) target(%dma_start3A_847 : memref<128x128xf32, #tpu.memory_space<vmem>>) offsets(%dma_start3A_850 : memref<128xi32, #tpu.memory_space<vmem>>) semaphore(%arg12 : memref<!tpu.dma_semaphore, #tpu.memory_space<semaphore_mem>>)
      %dma_start3A_854 = arith.constant 0 : i32
      %dma_start3A_855 = arith.constant 0 : i32
      %dma_start3A_856 = tpu.memref_slice %arg10[%rem3A_821, %dma_start3A_854, %dma_start3A_855] : memref<2x128x128xf32, #tpu.memory_space<vmem>> -> memref<1x128x128xf32, #tpu.memory_space<vmem>>
      %dma_start3A_857 = tpu.memref_squeeze %dma_start3A_856 : memref<1x128x128xf32, #tpu.memory_space<vmem>> -> memref<128x128xf32, #tpu.memory_space<vmem>>
      %dma_start3A_858 = arith.constant 0 : i32
      %dma_start3A_859 = tpu.memref_slice %arg9[%scan3A_819, %dma_start3A_858] : memref<40x128xi32, #tpu.memory_space<vmem>> -> memref<1x128xi32, #tpu.memory_space<vmem>>
      %dma_start3A_860 = tpu.memref_squeeze %dma_start3A_859 : memref<1x128xi32, #tpu.memory_space<vmem>> -> memref<128xi32, #tpu.memory_space<vmem>>
      %dma_start3A_861 = arith.constant 0 : i32
      %dma_start3A_862 = arith.constant 0 : i32
      %dma_start3A_863 = tpu.memref_slice %arg7[%dma_start3A_861, %dma_start3A_862] : memref<10112x128xf32, #tpu.memory_space<vmem_shared>> -> memref<10112x128xf32, #tpu.memory_space<vmem_shared>>
      tpu.enqueue_indirect_dma source(%dma_start3A_857 : memref<128x128xf32, #tpu.memory_space<vmem>>) target(%dma_start3A_863 : memref<10112x128xf32, #tpu.memory_space<vmem_shared>>) offsets(%dma_start3A_860 : memref<128xi32, #tpu.memory_space<vmem>>) semaphore(%arg13 : memref<!tpu.dma_semaphore, #tpu.memory_space<semaphore_mem>>) {add = true}
    }
    %scan3A_332 = arith.constant 40 : i32
    %dma_wait3A_333 = arith.constant 0 : i32
    %dma_wait3A_334 = arith.constant 0 : i32
    %dma_wait3A_335 = arith.constant 0 : i32
    %dma_wait3A_336 = tpu.memref_slice %arg10[%dma_wait3A_333, %dma_wait3A_334, %dma_wait3A_335] : memref<2x128x128xf32, #tpu.memory_space<vmem>> -> memref<1x128x128xf32, #tpu.memory_space<vmem>>
    %dma_wait3A_337 = tpu.memref_squeeze %dma_wait3A_336 : memref<1x128x128xf32, #tpu.memory_space<vmem>> -> memref<128x128xf32, #tpu.memory_space<vmem>>
    %dma_wait3A_338 = arith.constant 0 : i32
    %dma_wait3A_339 = arith.constant 0 : i32
    %dma_wait3A_340 = tpu.memref_slice %arg7[%dma_wait3A_338, %dma_wait3A_339] : memref<10112x128xf32, #tpu.memory_space<vmem_shared>> -> memref<10112x128xf32, #tpu.memory_space<vmem_shared>>
    tpu.wait_indirect_dma semaphore(%arg13 : memref<!tpu.dma_semaphore, #tpu.memory_space<semaphore_mem>>) src(%dma_wait3A_337 : memref<128x128xf32, #tpu.memory_space<vmem>>) dst(%dma_wait3A_340 : memref<10112x128xf32, #tpu.memory_space<vmem_shared>>)
    %rem3A = arith.constant 40 : i32
    %rem3A_341 = arith.constant 2 : i32
    %rem3A_342 = arith.remsi %rem3A, %rem3A_341 : i32
    %dma_wait3A_343 = arith.constant 40 : i32
    %dma_wait3A_344 = arith.constant 0 : i32
    %dma_wait3A_345 = arith.constant 0 : i32
    %dma_wait3A_346 = tpu.memref_slice %arg10[%rem3A_342, %dma_wait3A_344, %dma_wait3A_345] : memref<2x128x128xf32, #tpu.memory_space<vmem>> -> memref<1x128x128xf32, #tpu.memory_space<vmem>>
    %dma_wait3A_347 = tpu.memref_squeeze %dma_wait3A_346 : memref<1x128x128xf32, #tpu.memory_space<vmem>> -> memref<128x128xf32, #tpu.memory_space<vmem>>
    %dma_wait3A_348 = arith.constant 0 : i32
    %dma_wait3A_349 = tpu.memref_slice %arg8[%dma_wait3A_343, %dma_wait3A_348] : memref<41x128xi32, #tpu.memory_space<vmem>> -> memref<1x128xi32, #tpu.memory_space<vmem>>
    %dma_wait3A_350 = tpu.memref_squeeze %dma_wait3A_349 : memref<1x128xi32, #tpu.memory_space<vmem>> -> memref<128xi32, #tpu.memory_space<vmem>>
    %dma_wait3A_351 = arith.constant 0 : i32
    %dma_wait3A_352 = arith.constant 0 : i32
    %dma_wait3A_353 = tpu.memref_slice %arg2[%dma_wait3A_351, %dma_wait3A_352] : memref<10112x128xf32, #tpu.memory_space<hbm>> -> memref<10112x128xf32, #tpu.memory_space<hbm>>
    tpu.wait_indirect_dma semaphore(%arg12 : memref<!tpu.dma_semaphore, #tpu.memory_space<semaphore_mem>>) src(%dma_wait3A_353 : memref<10112x128xf32, #tpu.memory_space<hbm>>) dst(%dma_wait3A_347 : memref<128x128xf32, #tpu.memory_space<vmem>>)
    %mul3A_354 = arith.constant 2 : i32
    %mul3A_355 = arith.muli %add3A, %mul3A_354 : i32
    %add3A_356 = arith.constant 1 : i32
    %add3A_357 = arith.addi %mul3A_355, %add3A_356 : i32
    "tpu.region"() ({
      %run_scoped3A_819 = tpu.sem_alloc : memref<!tpu.dma_semaphore, #tpu.memory_space<semaphore_mem>>
      %dma_start3A_820 = arith.constant 0 : i32
      %dma_start3A_821 = arith.constant 0 : i32
      %dma_start3A_822 = tpu.memref_slice %arg8[%dma_start3A_820, %dma_start3A_821] : memref<41x128xi32, #tpu.memory_space<vmem>> -> memref<40x128xi32, #tpu.memory_space<vmem>>
      %dma_start3A_823 = arith.constant 0 : i32
      %dma_start3A_824 = arith.constant 0 : i32
      %dma_start3A_825 = tpu.memref_slice %arg3[%add3A_357, %dma_start3A_823, %dma_start3A_824] : memref<64x40x128xi32, #tpu.memory_space<hbm>> -> memref<1x40x128xi32, #tpu.memory_space<hbm>>
      %dma_start3A_826 = tpu.memref_squeeze %dma_start3A_825 : memref<1x40x128xi32, #tpu.memory_space<hbm>> -> memref<40x128xi32, #tpu.memory_space<hbm>>
      %dma_start3A_827 = arith.constant 0 : i32
      %dma_start3A_828 = arith.constant 0 : i32
      %dma_start3A_829 = tpu.memref_slice %arg8[%dma_start3A_827, %dma_start3A_828] : memref<41x128xi32, #tpu.memory_space<vmem>> -> memref<40x128xi32, #tpu.memory_space<vmem>>
      %dma_start3A_830 = arith.constant 0 : i32
      %dma_start3A_831 = arith.constant 0 : i32
      %dma_start3A_832 = tpu.memref_slice %arg3[%add3A_357, %dma_start3A_830, %dma_start3A_831] : memref<64x40x128xi32, #tpu.memory_space<hbm>> -> memref<1x40x128xi32, #tpu.memory_space<hbm>>
      %dma_start3A_833 = tpu.memref_squeeze %dma_start3A_832 : memref<1x40x128xi32, #tpu.memory_space<hbm>> -> memref<40x128xi32, #tpu.memory_space<hbm>>
      tpu.enqueue_dma source(%dma_start3A_833 : memref<40x128xi32, #tpu.memory_space<hbm>>) target(%dma_start3A_829 : memref<40x128xi32, #tpu.memory_space<vmem>>) target_semaphore(%run_scoped3A_819 : memref<!tpu.dma_semaphore, #tpu.memory_space<semaphore_mem>>)
      %dma_wait3A_834 = arith.constant 0 : i32
      %dma_wait3A_835 = arith.constant 0 : i32
      %dma_wait3A_836 = tpu.memref_slice %arg8[%dma_wait3A_834, %dma_wait3A_835] : memref<41x128xi32, #tpu.memory_space<vmem>> -> memref<40x128xi32, #tpu.memory_space<vmem>>
      %dma_wait3A_837 = arith.constant 0 : i32
      %dma_wait3A_838 = arith.constant 0 : i32
      %dma_wait3A_839 = tpu.memref_slice %arg3[%add3A_357, %dma_wait3A_837, %dma_wait3A_838] : memref<64x40x128xi32, #tpu.memory_space<hbm>> -> memref<1x40x128xi32, #tpu.memory_space<hbm>>
      %dma_wait3A_840 = tpu.memref_squeeze %dma_wait3A_839 : memref<1x40x128xi32, #tpu.memory_space<hbm>> -> memref<40x128xi32, #tpu.memory_space<hbm>>
      %dma_wait3A_841 = arith.constant 0 : i32
      %dma_wait3A_842 = arith.constant 0 : i32
      %dma_wait3A_843 = tpu.memref_slice %arg8[%dma_wait3A_841, %dma_wait3A_842] : memref<41x128xi32, #tpu.memory_space<vmem>> -> memref<40x128xi32, #tpu.memory_space<vmem>>
      %dma_wait3A_844 = arith.constant 0 : i32
      %dma_wait3A_845 = arith.constant 0 : i32
      %dma_wait3A_846 = tpu.memref_slice %arg3[%add3A_357, %dma_wait3A_844, %dma_wait3A_845] : memref<64x40x128xi32, #tpu.memory_space<hbm>> -> memref<1x40x128xi32, #tpu.memory_space<hbm>>
      %dma_wait3A_847 = tpu.memref_squeeze %dma_wait3A_846 : memref<1x40x128xi32, #tpu.memory_space<hbm>> -> memref<40x128xi32, #tpu.memory_space<hbm>>
      tpu.wait_dma2 semaphore(%run_scoped3A_819 : memref<!tpu.dma_semaphore, #tpu.memory_space<semaphore_mem>>) src(%dma_wait3A_847 : memref<40x128xi32, #tpu.memory_space<hbm>>) dst(%dma_wait3A_843 : memref<40x128xi32, #tpu.memory_space<vmem>>)
      tpu.yield
    }) : () -> ()
    %mul3A_358 = arith.constant 2 : i32
    %mul3A_359 = arith.muli %add3A, %mul3A_358 : i32
    %add3A_360 = arith.constant 1 : i32
    %add3A_361 = arith.addi %mul3A_359, %add3A_360 : i32
    "tpu.region"() ({
      %run_scoped3A_819 = tpu.sem_alloc : memref<!tpu.dma_semaphore, #tpu.memory_space<semaphore_mem>>
      %dma_start3A_820 = arith.constant 0 : i32
      %dma_start3A_821 = arith.constant 0 : i32
      %dma_start3A_822 = tpu.memref_slice %arg4[%add3A_361, %dma_start3A_820, %dma_start3A_821] : memref<64x40x128xi32, #tpu.memory_space<hbm>> -> memref<1x40x128xi32, #tpu.memory_space<hbm>>
      %dma_start3A_823 = tpu.memref_squeeze %dma_start3A_822 : memref<1x40x128xi32, #tpu.memory_space<hbm>> -> memref<40x128xi32, #tpu.memory_space<hbm>>
      %dma_start3A_824 = arith.constant 0 : i32
      %dma_start3A_825 = arith.constant 0 : i32
      %dma_start3A_826 = tpu.memref_slice %arg4[%add3A_361, %dma_start3A_824, %dma_start3A_825] : memref<64x40x128xi32, #tpu.memory_space<hbm>> -> memref<1x40x128xi32, #tpu.memory_space<hbm>>
      %dma_start3A_827 = tpu.memref_squeeze %dma_start3A_826 : memref<1x40x128xi32, #tpu.memory_space<hbm>> -> memref<40x128xi32, #tpu.memory_space<hbm>>
      tpu.enqueue_dma source(%dma_start3A_827 : memref<40x128xi32, #tpu.memory_space<hbm>>) target(%arg9 : memref<40x128xi32, #tpu.memory_space<vmem>>) target_semaphore(%run_scoped3A_819 : memref<!tpu.dma_semaphore, #tpu.memory_space<semaphore_mem>>)
      %dma_wait3A_828 = arith.constant 0 : i32
      %dma_wait3A_829 = arith.constant 0 : i32
      %dma_wait3A_830 = tpu.memref_slice %arg4[%add3A_361, %dma_wait3A_828, %dma_wait3A_829] : memref<64x40x128xi32, #tpu.memory_space<hbm>> -> memref<1x40x128xi32, #tpu.memory_space<hbm>>
      %dma_wait3A_831 = tpu.memref_squeeze %dma_wait3A_830 : memref<1x40x128xi32, #tpu.memory_space<hbm>> -> memref<40x128xi32, #tpu.memory_space<hbm>>
      %dma_wait3A_832 = arith.constant 0 : i32
      %dma_wait3A_833 = arith.constant 0 : i32
      %dma_wait3A_834 = tpu.memref_slice %arg4[%add3A_361, %dma_wait3A_832, %dma_wait3A_833] : memref<64x40x128xi32, #tpu.memory_space<hbm>> -> memref<1x40x128xi32, #tpu.memory_space<hbm>>
      %dma_wait3A_835 = tpu.memref_squeeze %dma_wait3A_834 : memref<1x40x128xi32, #tpu.memory_space<hbm>> -> memref<40x128xi32, #tpu.memory_space<hbm>>
      tpu.wait_dma2 semaphore(%run_scoped3A_819 : memref<!tpu.dma_semaphore, #tpu.memory_space<semaphore_mem>>) src(%dma_wait3A_835 : memref<40x128xi32, #tpu.memory_space<hbm>>) dst(%arg9 : memref<40x128xi32, #tpu.memory_space<vmem>>)
      tpu.yield
    }) : () -> ()
    %get3A_362 = arith.constant 0 : i32
    %get3A_363 = arith.index_cast %get3A_362 : i32 to index
    %get3A_364 = arith.constant 0 : index
    %get3A_365 = tpu.vector_load %arg8[%get3A_363, %get3A_364] {strides = array<i32>} : memref<41x128xi32, #tpu.memory_space<vmem>>, vector<1x16xi32>,
    %get3A_366 = vector.shape_cast %get3A_365 : vector<1x16xi32> to vector<16xi32>
    %swap3A_367 = arith.constant 40 : i32
    %swap3A_368 = arith.index_cast %swap3A_367 : i32 to index
    %swap3A_369 = arith.constant 0 : index
    %swap3A_370 = tpu.vector_load %arg8[%swap3A_368, %swap3A_369] {strides = array<i32>} : memref<41x128xi32, #tpu.memory_space<vmem>>, vector<1x16xi32>,
    %swap3A_371 = vector.shape_cast %swap3A_370 : vector<1x16xi32> to vector<16xi32>
    %swap3A_372 = vector.shape_cast %get3A_366 : vector<16xi32> to vector<1x16xi32>
    tpu.vector_store %arg8[%swap3A_368, %swap3A_369], %swap3A_372 {strides = array<i32>} : memref<41x128xi32, #tpu.memory_space<vmem>>, vector<1x16xi32>,
    %get3A_373 = arith.constant 0 : i32
    %get3A_374 = arith.index_cast %get3A_373 : i32 to index
    %get3A_375 = arith.constant 16 : index
    %get3A_376 = tpu.vector_load %arg8[%get3A_374, %get3A_375] {strides = array<i32>} : memref<41x128xi32, #tpu.memory_space<vmem>>, vector<1x16xi32>,
    %get3A_377 = vector.shape_cast %get3A_376 : vector<1x16xi32> to vector<16xi32>
    %swap3A_378 = arith.constant 40 : i32
    %swap3A_379 = arith.index_cast %swap3A_378 : i32 to index
    %swap3A_380 = arith.constant 16 : index
    %swap3A_381 = tpu.vector_load %arg8[%swap3A_379, %swap3A_380] {strides = array<i32>} : memref<41x128xi32, #tpu.memory_space<vmem>>, vector<1x16xi32>,
    %swap3A_382 = vector.shape_cast %swap3A_381 : vector<1x16xi32> to vector<16xi32>
    %swap3A_383 = vector.shape_cast %get3A_377 : vector<16xi32> to vector<1x16xi32>
    tpu.vector_store %arg8[%swap3A_379, %swap3A_380], %swap3A_383 {strides = array<i32>} : memref<41x128xi32, #tpu.memory_space<vmem>>, vector<1x16xi32>,
    %get3A_384 = arith.constant 0 : i32
    %get3A_385 = arith.index_cast %get3A_384 : i32 to index
    %get3A_386 = arith.constant 32 : index
    %get3A_387 = tpu.vector_load %arg8[%get3A_385, %get3A_386] {strides = array<i32>} : memref<41x128xi32, #tpu.memory_space<vmem>>, vector<1x16xi32>,
    %get3A_388 = vector.shape_cast %get3A_387 : vector<1x16xi32> to vector<16xi32>
    %swap3A_389 = arith.constant 40 : i32
    %swap3A_390 = arith.index_cast %swap3A_389 : i32 to index
    %swap3A_391 = arith.constant 32 : index
    %swap3A_392 = tpu.vector_load %arg8[%swap3A_390, %swap3A_391] {strides = array<i32>} : memref<41x128xi32, #tpu.memory_space<vmem>>, vector<1x16xi32>,
    %swap3A_393 = vector.shape_cast %swap3A_392 : vector<1x16xi32> to vector<16xi32>
    %swap3A_394 = vector.shape_cast %get3A_388 : vector<16xi32> to vector<1x16xi32>
    tpu.vector_store %arg8[%swap3A_390, %swap3A_391], %swap3A_394 {strides = array<i32>} : memref<41x128xi32, #tpu.memory_space<vmem>>, vector<1x16xi32>,
    %get3A_395 = arith.constant 0 : i32
    %get3A_396 = arith.index_cast %get3A_395 : i32 to index
    %get3A_397 = arith.constant 48 : index
    %get3A_398 = tpu.vector_load %arg8[%get3A_396, %get3A_397] {strides = array<i32>} : memref<41x128xi32, #tpu.memory_space<vmem>>, vector<1x16xi32>,
    %get3A_399 = vector.shape_cast %get3A_398 : vector<1x16xi32> to vector<16xi32>
    %swap3A_400 = arith.constant 40 : i32
    %swap3A_401 = arith.index_cast %swap3A_400 : i32 to index
    %swap3A_402 = arith.constant 48 : index
    %swap3A_403 = tpu.vector_load %arg8[%swap3A_401, %swap3A_402] {strides = array<i32>} : memref<41x128xi32, #tpu.memory_space<vmem>>, vector<1x16xi32>,
    %swap3A_404 = vector.shape_cast %swap3A_403 : vector<1x16xi32> to vector<16xi32>
    %swap3A_405 = vector.shape_cast %get3A_399 : vector<16xi32> to vector<1x16xi32>
    tpu.vector_store %arg8[%swap3A_401, %swap3A_402], %swap3A_405 {strides = array<i32>} : memref<41x128xi32, #tpu.memory_space<vmem>>, vector<1x16xi32>,
    %get3A_406 = arith.constant 0 : i32
    %get3A_407 = arith.index_cast %get3A_406 : i32 to index
    %get3A_408 = arith.constant 64 : index
    %get3A_409 = tpu.vector_load %arg8[%get3A_407, %get3A_408] {strides = array<i32>} : memref<41x128xi32, #tpu.memory_space<vmem>>, vector<1x16xi32>,
    %get3A_410 = vector.shape_cast %get3A_409 : vector<1x16xi32> to vector<16xi32>
    %swap3A_411 = arith.constant 40 : i32
    %swap3A_412 = arith.index_cast %swap3A_411 : i32 to index
    %swap3A_413 = arith.constant 64 : index
    %swap3A_414 = tpu.vector_load %arg8[%swap3A_412, %swap3A_413] {strides = array<i32>} : memref<41x128xi32, #tpu.memory_space<vmem>>, vector<1x16xi32>,
    %swap3A_415 = vector.shape_cast %swap3A_414 : vector<1x16xi32> to vector<16xi32>
    %swap3A_416 = vector.shape_cast %get3A_410 : vector<16xi32> to vector<1x16xi32>
    tpu.vector_store %arg8[%swap3A_412, %swap3A_413], %swap3A_416 {strides = array<i32>} : memref<41x128xi32, #tpu.memory_space<vmem>>, vector<1x16xi32>,
    %get3A_417 = arith.constant 0 : i32
    %get3A_418 = arith.index_cast %get3A_417 : i32 to index
    %get3A_419 = arith.constant 80 : index
    %get3A_420 = tpu.vector_load %arg8[%get3A_418, %get3A_419] {strides = array<i32>} : memref<41x128xi32, #tpu.memory_space<vmem>>, vector<1x16xi32>,
    %get3A_421 = vector.shape_cast %get3A_420 : vector<1x16xi32> to vector<16xi32>
    %swap3A_422 = arith.constant 40 : i32
    %swap3A_423 = arith.index_cast %swap3A_422 : i32 to index
    %swap3A_424 = arith.constant 80 : index
    %swap3A_425 = tpu.vector_load %arg8[%swap3A_423, %swap3A_424] {strides = array<i32>} : memref<41x128xi32, #tpu.memory_space<vmem>>, vector<1x16xi32>,
    %swap3A_426 = vector.shape_cast %swap3A_425 : vector<1x16xi32> to vector<16xi32>
    %swap3A_427 = vector.shape_cast %get3A_421 : vector<16xi32> to vector<1x16xi32>
    tpu.vector_store %arg8[%swap3A_423, %swap3A_424], %swap3A_427 {strides = array<i32>} : memref<41x128xi32, #tpu.memory_space<vmem>>, vector<1x16xi32>,
    %get3A_428 = arith.constant 0 : i32
    %get3A_429 = arith.index_cast %get3A_428 : i32 to index
    %get3A_430 = arith.constant 96 : index
    %get3A_431 = tpu.vector_load %arg8[%get3A_429, %get3A_430] {strides = array<i32>} : memref<41x128xi32, #tpu.memory_space<vmem>>, vector<1x16xi32>,
    %get3A_432 = vector.shape_cast %get3A_431 : vector<1x16xi32> to vector<16xi32>
    %swap3A_433 = arith.constant 40 : i32
    %swap3A_434 = arith.index_cast %swap3A_433 : i32 to index
    %swap3A_435 = arith.constant 96 : index
    %swap3A_436 = tpu.vector_load %arg8[%swap3A_434, %swap3A_435] {strides = array<i32>} : memref<41x128xi32, #tpu.memory_space<vmem>>, vector<1x16xi32>,
    %swap3A_437 = vector.shape_cast %swap3A_436 : vector<1x16xi32> to vector<16xi32>
    %swap3A_438 = vector.shape_cast %get3A_432 : vector<16xi32> to vector<1x16xi32>
    tpu.vector_store %arg8[%swap3A_434, %swap3A_435], %swap3A_438 {strides = array<i32>} : memref<41x128xi32, #tpu.memory_space<vmem>>, vector<1x16xi32>,
    %get3A_439 = arith.constant 0 : i32
    %get3A_440 = arith.index_cast %get3A_439 : i32 to index
    %get3A_441 = arith.constant 112 : index
    %get3A_442 = tpu.vector_load %arg8[%get3A_440, %get3A_441] {strides = array<i32>} : memref<41x128xi32, #tpu.memory_space<vmem>>, vector<1x16xi32>,
    %get3A_443 = vector.shape_cast %get3A_442 : vector<1x16xi32> to vector<16xi32>
    %swap3A_444 = arith.constant 40 : i32
    %swap3A_445 = arith.index_cast %swap3A_444 : i32 to index
    %swap3A_446 = arith.constant 112 : index
    %swap3A_447 = tpu.vector_load %arg8[%swap3A_445, %swap3A_446] {strides = array<i32>} : memref<41x128xi32, #tpu.memory_space<vmem>>, vector<1x16xi32>,
    %swap3A_448 = vector.shape_cast %swap3A_447 : vector<1x16xi32> to vector<16xi32>
    %swap3A_449 = vector.shape_cast %get3A_443 : vector<16xi32> to vector<1x16xi32>
    tpu.vector_store %arg8[%swap3A_445, %swap3A_446], %swap3A_449 {strides = array<i32>} : memref<41x128xi32, #tpu.memory_space<vmem>>, vector<1x16xi32>,
    %dma_start3A_450 = arith.constant 0 : i32
    %dma_start3A_451 = arith.constant 0 : i32
    %dma_start3A_452 = arith.constant 0 : i32
    %dma_start3A_453 = arith.constant 0 : i32
    %dma_start3A_454 = tpu.memref_slice %arg10[%dma_start3A_451, %dma_start3A_452, %dma_start3A_453] : memref<2x128x128xf32, #tpu.memory_space<vmem>> -> memref<1x128x128xf32, #tpu.memory_space<vmem>>
    %dma_start3A_455 = tpu.memref_squeeze %dma_start3A_454 : memref<1x128x128xf32, #tpu.memory_space<vmem>> -> memref<128x128xf32, #tpu.memory_space<vmem>>
    %dma_start3A_456 = arith.constant 0 : i32
    %dma_start3A_457 = tpu.memref_slice %arg8[%dma_start3A_450, %dma_start3A_456] : memref<41x128xi32, #tpu.memory_space<vmem>> -> memref<1x128xi32, #tpu.memory_space<vmem>>
    %dma_start3A_458 = tpu.memref_squeeze %dma_start3A_457 : memref<1x128xi32, #tpu.memory_space<vmem>> -> memref<128xi32, #tpu.memory_space<vmem>>
    %dma_start3A_459 = arith.constant 0 : i32
    %dma_start3A_460 = arith.constant 0 : i32
    %dma_start3A_461 = tpu.memref_slice %arg2[%dma_start3A_459, %dma_start3A_460] : memref<10112x128xf32, #tpu.memory_space<hbm>> -> memref<10112x128xf32, #tpu.memory_space<hbm>>
    tpu.enqueue_indirect_dma source(%dma_start3A_461 : memref<10112x128xf32, #tpu.memory_space<hbm>>) target(%dma_start3A_455 : memref<128x128xf32, #tpu.memory_space<vmem>>) offsets(%dma_start3A_458 : memref<128xi32, #tpu.memory_space<vmem>>) semaphore(%arg12 : memref<!tpu.dma_semaphore, #tpu.memory_space<semaphore_mem>>)
    %dma_start3A_462 = arith.constant 1 : i32
    %dma_start3A_463 = arith.constant 0 : i32
    %dma_start3A_464 = arith.constant 0 : i32
    %dma_start3A_465 = tpu.memref_slice %arg10[%dma_start3A_462, %dma_start3A_463, %dma_start3A_464] : memref<2x128x128xf32, #tpu.memory_space<vmem>> -> memref<1x128x128xf32, #tpu.memory_space<vmem>>
    %dma_start3A_466 = tpu.memref_squeeze %dma_start3A_465 : memref<1x128x128xf32, #tpu.memory_space<vmem>> -> memref<128x128xf32, #tpu.memory_space<vmem>>
    %dma_start3A_467 = arith.constant 0 : i32
    %dma_start3A_468 = arith.constant 0 : i32
    %dma_start3A_469 = tpu.memref_slice %arg7[%dma_start3A_467, %dma_start3A_468] : memref<10112x128xf32, #tpu.memory_space<vmem_shared>> -> memref<10112x128xf32, #tpu.memory_space<vmem_shared>>
    tpu.enqueue_indirect_dma source(%dma_start3A_466 : memref<128x128xf32, #tpu.memory_space<vmem>>) target(%dma_start3A_469 : memref<10112x128xf32, #tpu.memory_space<vmem_shared>>) offsets(%arg11 : memref<128xi32, #tpu.memory_space<vmem>>) semaphore(%arg13 : memref<!tpu.dma_semaphore, #tpu.memory_space<semaphore_mem>>) {add = true}
    %scan3A_470 = arith.constant 0 : i32
    %scan3A_471 = arith.constant 0 : i32
    %scan3A_472 = arith.constant 40 : i32
    %scan3A_473 = arith.addi %scan3A_471, %scan3A_472 : i32
    %scan3A_474 = arith.constant 1 : i32
    scf.for %scan3A_819 = %scan3A_471 to %scan3A_473 step %scan3A_474  : i32 {
      %rem3A_820 = arith.constant 2 : i32
      %rem3A_821 = arith.remsi %scan3A_819, %rem3A_820 : i32
      %sub3A = arith.constant 1 : i32
      %sub3A_822 = arith.subi %sub3A, %rem3A_821 : i32
      %dma_wait3A_823 = arith.constant 0 : i32
      %dma_wait3A_824 = arith.constant 0 : i32
      %dma_wait3A_825 = tpu.memref_slice %arg10[%sub3A_822, %dma_wait3A_823, %dma_wait3A_824] : memref<2x128x128xf32, #tpu.memory_space<vmem>> -> memref<1x128x128xf32, #tpu.memory_space<vmem>>
      %dma_wait3A_826 = tpu.memref_squeeze %dma_wait3A_825 : memref<1x128x128xf32, #tpu.memory_space<vmem>> -> memref<128x128xf32, #tpu.memory_space<vmem>>
      %dma_wait3A_827 = arith.constant 0 : i32
      %dma_wait3A_828 = arith.constant 0 : i32
      %dma_wait3A_829 = tpu.memref_slice %arg7[%dma_wait3A_827, %dma_wait3A_828] : memref<10112x128xf32, #tpu.memory_space<vmem_shared>> -> memref<10112x128xf32, #tpu.memory_space<vmem_shared>>
      tpu.wait_indirect_dma semaphore(%arg13 : memref<!tpu.dma_semaphore, #tpu.memory_space<semaphore_mem>>) src(%dma_wait3A_826 : memref<128x128xf32, #tpu.memory_space<vmem>>) dst(%dma_wait3A_829 : memref<10112x128xf32, #tpu.memory_space<vmem_shared>>)
      %dma_wait3A_830 = arith.constant 0 : i32
      %dma_wait3A_831 = arith.constant 0 : i32
      %dma_wait3A_832 = tpu.memref_slice %arg10[%rem3A_821, %dma_wait3A_830, %dma_wait3A_831] : memref<2x128x128xf32, #tpu.memory_space<vmem>> -> memref<1x128x128xf32, #tpu.memory_space<vmem>>
      %dma_wait3A_833 = tpu.memref_squeeze %dma_wait3A_832 : memref<1x128x128xf32, #tpu.memory_space<vmem>> -> memref<128x128xf32, #tpu.memory_space<vmem>>
      %dma_wait3A_834 = arith.constant 0 : i32
      %dma_wait3A_835 = tpu.memref_slice %arg8[%scan3A_819, %dma_wait3A_834] : memref<41x128xi32, #tpu.memory_space<vmem>> -> memref<1x128xi32, #tpu.memory_space<vmem>>
      %dma_wait3A_836 = tpu.memref_squeeze %dma_wait3A_835 : memref<1x128xi32, #tpu.memory_space<vmem>> -> memref<128xi32, #tpu.memory_space<vmem>>
      %dma_wait3A_837 = arith.constant 0 : i32
      %dma_wait3A_838 = arith.constant 0 : i32
      %dma_wait3A_839 = tpu.memref_slice %arg2[%dma_wait3A_837, %dma_wait3A_838] : memref<10112x128xf32, #tpu.memory_space<hbm>> -> memref<10112x128xf32, #tpu.memory_space<hbm>>
      tpu.wait_indirect_dma semaphore(%arg12 : memref<!tpu.dma_semaphore, #tpu.memory_space<semaphore_mem>>) src(%dma_wait3A_839 : memref<10112x128xf32, #tpu.memory_space<hbm>>) dst(%dma_wait3A_833 : memref<128x128xf32, #tpu.memory_space<vmem>>)
      %add3A_840 = arith.constant 1 : i32
      %add3A_841 = arith.addi %scan3A_819, %add3A_840 : i32
      %sub3A_842 = arith.constant 1 : i32
      %sub3A_843 = arith.subi %sub3A_842, %rem3A_821 : i32
      %dma_start3A_844 = arith.constant 0 : i32
      %dma_start3A_845 = arith.constant 0 : i32
      %dma_start3A_846 = tpu.memref_slice %arg10[%sub3A_843, %dma_start3A_844, %dma_start3A_845] : memref<2x128x128xf32, #tpu.memory_space<vmem>> -> memref<1x128x128xf32, #tpu.memory_space<vmem>>
      %dma_start3A_847 = tpu.memref_squeeze %dma_start3A_846 : memref<1x128x128xf32, #tpu.memory_space<vmem>> -> memref<128x128xf32, #tpu.memory_space<vmem>>
      %dma_start3A_848 = arith.constant 0 : i32
      %dma_start3A_849 = tpu.memref_slice %arg8[%add3A_841, %dma_start3A_848] : memref<41x128xi32, #tpu.memory_space<vmem>> -> memref<1x128xi32, #tpu.memory_space<vmem>>
      %dma_start3A_850 = tpu.memref_squeeze %dma_start3A_849 : memref<1x128xi32, #tpu.memory_space<vmem>> -> memref<128xi32, #tpu.memory_space<vmem>>
      %dma_start3A_851 = arith.constant 0 : i32
      %dma_start3A_852 = arith.constant 0 : i32
      %dma_start3A_853 = tpu.memref_slice %arg2[%dma_start3A_851, %dma_start3A_852] : memref<10112x128xf32, #tpu.memory_space<hbm>> -> memref<10112x128xf32, #tpu.memory_space<hbm>>
      tpu.enqueue_indirect_dma source(%dma_start3A_853 : memref<10112x128xf32, #tpu.memory_space<hbm>>) target(%dma_start3A_847 : memref<128x128xf32, #tpu.memory_space<vmem>>) offsets(%dma_start3A_850 : memref<128xi32, #tpu.memory_space<vmem>>) semaphore(%arg12 : memref<!tpu.dma_semaphore, #tpu.memory_space<semaphore_mem>>)
      %dma_start3A_854 = arith.constant 0 : i32
      %dma_start3A_855 = arith.constant 0 : i32
      %dma_start3A_856 = tpu.memref_slice %arg10[%rem3A_821, %dma_start3A_854, %dma_start3A_855] : memref<2x128x128xf32, #tpu.memory_space<vmem>> -> memref<1x128x128xf32, #tpu.memory_space<vmem>>
      %dma_start3A_857 = tpu.memref_squeeze %dma_start3A_856 : memref<1x128x128xf32, #tpu.memory_space<vmem>> -> memref<128x128xf32, #tpu.memory_space<vmem>>
      %dma_start3A_858 = arith.constant 0 : i32
      %dma_start3A_859 = tpu.memref_slice %arg9[%scan3A_819, %dma_start3A_858] : memref<40x128xi32, #tpu.memory_space<vmem>> -> memref<1x128xi32, #tpu.memory_space<vmem>>
      %dma_start3A_860 = tpu.memref_squeeze %dma_start3A_859 : memref<1x128xi32, #tpu.memory_space<vmem>> -> memref<128xi32, #tpu.memory_space<vmem>>
      %dma_start3A_861 = arith.constant 0 : i32
      %dma_start3A_862 = arith.constant 0 : i32
      %dma_start3A_863 = tpu.memref_slice %arg7[%dma_start3A_861, %dma_start3A_862] : memref<10112x128xf32, #tpu.memory_space<vmem_shared>> -> memref<10112x128xf32, #tpu.memory_space<vmem_shared>>
      tpu.enqueue_indirect_dma source(%dma_start3A_857 : memref<128x128xf32, #tpu.memory_space<vmem>>) target(%dma_start3A_863 : memref<10112x128xf32, #tpu.memory_space<vmem_shared>>) offsets(%dma_start3A_860 : memref<128xi32, #tpu.memory_space<vmem>>) semaphore(%arg13 : memref<!tpu.dma_semaphore, #tpu.memory_space<semaphore_mem>>) {add = true}
    }
    %scan3A_475 = arith.constant 40 : i32
    %dma_wait3A_476 = arith.constant 0 : i32
    %dma_wait3A_477 = arith.constant 0 : i32
    %dma_wait3A_478 = arith.constant 0 : i32
    %dma_wait3A_479 = tpu.memref_slice %arg10[%dma_wait3A_476, %dma_wait3A_477, %dma_wait3A_478] : memref<2x128x128xf32, #tpu.memory_space<vmem>> -> memref<1x128x128xf32, #tpu.memory_space<vmem>>
    %dma_wait3A_480 = tpu.memref_squeeze %dma_wait3A_479 : memref<1x128x128xf32, #tpu.memory_space<vmem>> -> memref<128x128xf32, #tpu.memory_space<vmem>>
    %dma_wait3A_481 = arith.constant 0 : i32
    %dma_wait3A_482 = arith.constant 0 : i32
    %dma_wait3A_483 = tpu.memref_slice %arg7[%dma_wait3A_481, %dma_wait3A_482] : memref<10112x128xf32, #tpu.memory_space<vmem_shared>> -> memref<10112x128xf32, #tpu.memory_space<vmem_shared>>
    tpu.wait_indirect_dma semaphore(%arg13 : memref<!tpu.dma_semaphore, #tpu.memory_space<semaphore_mem>>) src(%dma_wait3A_480 : memref<128x128xf32, #tpu.memory_space<vmem>>) dst(%dma_wait3A_483 : memref<10112x128xf32, #tpu.memory_space<vmem_shared>>)
    %rem3A_484 = arith.constant 40 : i32
    %rem3A_485 = arith.constant 2 : i32
    %rem3A_486 = arith.remsi %rem3A_484, %rem3A_485 : i32
    %dma_wait3A_487 = arith.constant 40 : i32
    %dma_wait3A_488 = arith.constant 0 : i32
    %dma_wait3A_489 = arith.constant 0 : i32
    %dma_wait3A_490 = tpu.memref_slice %arg10[%rem3A_486, %dma_wait3A_488, %dma_wait3A_489] : memref<2x128x128xf32, #tpu.memory_space<vmem>> -> memref<1x128x128xf32, #tpu.memory_space<vmem>>
    %dma_wait3A_491 = tpu.memref_squeeze %dma_wait3A_490 : memref<1x128x128xf32, #tpu.memory_space<vmem>> -> memref<128x128xf32, #tpu.memory_space<vmem>>
    %dma_wait3A_492 = arith.constant 0 : i32
    %dma_wait3A_493 = tpu.memref_slice %arg8[%dma_wait3A_487, %dma_wait3A_492] : memref<41x128xi32, #tpu.memory_space<vmem>> -> memref<1x128xi32, #tpu.memory_space<vmem>>
    %dma_wait3A_494 = tpu.memref_squeeze %dma_wait3A_493 : memref<1x128xi32, #tpu.memory_space<vmem>> -> memref<128xi32, #tpu.memory_space<vmem>>
    %dma_wait3A_495 = arith.constant 0 : i32
    %dma_wait3A_496 = arith.constant 0 : i32
    %dma_wait3A_497 = tpu.memref_slice %arg2[%dma_wait3A_495, %dma_wait3A_496] : memref<10112x128xf32, #tpu.memory_space<hbm>> -> memref<10112x128xf32, #tpu.memory_space<hbm>>
    tpu.wait_indirect_dma semaphore(%arg12 : memref<!tpu.dma_semaphore, #tpu.memory_space<semaphore_mem>>) src(%dma_wait3A_497 : memref<10112x128xf32, #tpu.memory_space<hbm>>) dst(%dma_wait3A_491 : memref<128x128xf32, #tpu.memory_space<vmem>>)
    %barrier3A_498 = arith.constant 0 : index
    tpu.barrier barrier_id(%barrier3A_498)
    %add3A_499 = arith.constant 0 : i32
    %add3A_500 = arith.addi %mul3A_2, %add3A_499 : i32
    %dma_start3A_501 = arith.constant 0 : i32
    %dma_start3A_502 = arith.constant 0 : i32
    %dma_start3A_503 = arith.constant 0 : i32
    %dma_start3A_504 = tpu.memref_slice %arg10[%dma_start3A_501, %dma_start3A_502, %dma_start3A_503] : memref<2x128x128xf32, #tpu.memory_space<vmem>> -> memref<1x128x128xf32, #tpu.memory_space<vmem>>
    %dma_start3A_505 = tpu.memref_squeeze %dma_start3A_504 : memref<1x128x128xf32, #tpu.memory_space<vmem>> -> memref<128x128xf32, #tpu.memory_space<vmem>>
    %dma_start3A_506 = arith.constant 0 : i32
    %dma_start3A_507 = tpu.memref_slice %arg7[%add3A_500, %dma_start3A_506] : memref<10112x128xf32, #tpu.memory_space<vmem_shared>> -> memref<128x128xf32, #tpu.memory_space<vmem_shared>>
    %dma_start3A_508 = arith.constant 0 : i32
    %dma_start3A_509 = arith.constant 0 : i32
    %dma_start3A_510 = tpu.memref_slice %arg10[%dma_start3A_501, %dma_start3A_508, %dma_start3A_509] : memref<2x128x128xf32, #tpu.memory_space<vmem>> -> memref<1x128x128xf32, #tpu.memory_space<vmem>>
    %dma_start3A_511 = tpu.memref_squeeze %dma_start3A_510 : memref<1x128x128xf32, #tpu.memory_space<vmem>> -> memref<128x128xf32, #tpu.memory_space<vmem>>
    %dma_start3A_512 = arith.constant 0 : i32
    %dma_start3A_513 = tpu.memref_slice %arg7[%add3A_500, %dma_start3A_512] : memref<10112x128xf32, #tpu.memory_space<vmem_shared>> -> memref<128x128xf32, #tpu.memory_space<vmem_shared>>
    tpu.enqueue_dma source(%dma_start3A_513 : memref<128x128xf32, #tpu.memory_space<vmem_shared>>) target(%dma_start3A_511 : memref<128x128xf32, #tpu.memory_space<vmem>>) target_semaphore(%arg12 : memref<!tpu.dma_semaphore, #tpu.memory_space<semaphore_mem>>)
    %add3A_514 = arith.constant 0 : i32
    %add3A_515 = arith.addi %mul3A_2, %add3A_514 : i32
    %dma_wait3A_516 = arith.constant 0 : i32
    %dma_wait3A_517 = arith.constant 0 : i32
    %dma_wait3A_518 = arith.constant 0 : i32
    %dma_wait3A_519 = tpu.memref_slice %arg10[%dma_wait3A_516, %dma_wait3A_517, %dma_wait3A_518] : memref<2x128x128xf32, #tpu.memory_space<vmem>> -> memref<1x128x128xf32, #tpu.memory_space<vmem>>
    %dma_wait3A_520 = tpu.memref_squeeze %dma_wait3A_519 : memref<1x128x128xf32, #tpu.memory_space<vmem>> -> memref<128x128xf32, #tpu.memory_space<vmem>>
    %dma_wait3A_521 = arith.constant 0 : i32
    %dma_wait3A_522 = tpu.memref_slice %arg7[%add3A_515, %dma_wait3A_521] : memref<10112x128xf32, #tpu.memory_space<vmem_shared>> -> memref<128x128xf32, #tpu.memory_space<vmem_shared>>
    %dma_wait3A_523 = arith.constant 0 : i32
    %dma_wait3A_524 = arith.constant 0 : i32
    %dma_wait3A_525 = tpu.memref_slice %arg10[%dma_wait3A_516, %dma_wait3A_523, %dma_wait3A_524] : memref<2x128x128xf32, #tpu.memory_space<vmem>> -> memref<1x128x128xf32, #tpu.memory_space<vmem>>
    %dma_wait3A_526 = tpu.memref_squeeze %dma_wait3A_525 : memref<1x128x128xf32, #tpu.memory_space<vmem>> -> memref<128x128xf32, #tpu.memory_space<vmem>>
    %dma_wait3A_527 = arith.constant 0 : i32
    %dma_wait3A_528 = tpu.memref_slice %arg7[%add3A_515, %dma_wait3A_527] : memref<10112x128xf32, #tpu.memory_space<vmem_shared>> -> memref<128x128xf32, #tpu.memory_space<vmem_shared>>
    tpu.wait_dma2 semaphore(%arg12 : memref<!tpu.dma_semaphore, #tpu.memory_space<semaphore_mem>>) src(%dma_wait3A_528 : memref<128x128xf32, #tpu.memory_space<vmem_shared>>) dst(%dma_wait3A_526 : memref<128x128xf32, #tpu.memory_space<vmem>>)
    %add3A_529 = arith.constant 0 : i32
    %add3A_530 = arith.addi %mul3A_2, %add3A_529 : i32
    %dma_start3A_531 = arith.constant 0 : i32
    %dma_start3A_532 = arith.constant 0 : i32
    %dma_start3A_533 = arith.constant 0 : i32
    %dma_start3A_534 = tpu.memref_slice %arg10[%dma_start3A_531, %dma_start3A_532, %dma_start3A_533] : memref<2x128x128xf32, #tpu.memory_space<vmem>> -> memref<1x128x128xf32, #tpu.memory_space<vmem>>
    %dma_start3A_535 = tpu.memref_squeeze %dma_start3A_534 : memref<1x128x128xf32, #tpu.memory_space<vmem>> -> memref<128x128xf32, #tpu.memory_space<vmem>>
    %dma_start3A_536 = arith.constant 0 : i32
    %dma_start3A_537 = tpu.memref_slice %arg6[%arg0, %add3A_530, %dma_start3A_536] : memref<2x10112x128xf32, #tpu.memory_space<hbm>> -> memref<1x128x128xf32, #tpu.memory_space<hbm>>
    %dma_start3A_538 = tpu.memref_squeeze %dma_start3A_537 : memref<1x128x128xf32, #tpu.memory_space<hbm>> -> memref<128x128xf32, #tpu.memory_space<hbm>>
    %dma_start3A_539 = arith.constant 0 : i32
    %dma_start3A_540 = tpu.memref_slice %arg6[%arg0, %add3A_530, %dma_start3A_539] : memref<2x10112x128xf32, #tpu.memory_space<hbm>> -> memref<1x128x128xf32, #tpu.memory_space<hbm>>
    %dma_start3A_541 = tpu.memref_squeeze %dma_start3A_540 : memref<1x128x128xf32, #tpu.memory_space<hbm>> -> memref<128x128xf32, #tpu.memory_space<hbm>>
    %dma_start3A_542 = arith.constant 0 : i32
    %dma_start3A_543 = arith.constant 0 : i32
    %dma_start3A_544 = tpu.memref_slice %arg10[%dma_start3A_531, %dma_start3A_542, %dma_start3A_543] : memref<2x128x128xf32, #tpu.memory_space<vmem>> -> memref<1x128x128xf32, #tpu.memory_space<vmem>>
    %dma_start3A_545 = tpu.memref_squeeze %dma_start3A_544 : memref<1x128x128xf32, #tpu.memory_space<vmem>> -> memref<128x128xf32, #tpu.memory_space<vmem>>
    tpu.enqueue_dma source(%dma_start3A_545 : memref<128x128xf32, #tpu.memory_space<vmem>>) target(%dma_start3A_541 : memref<128x128xf32, #tpu.memory_space<hbm>>) target_semaphore(%arg13 : memref<!tpu.dma_semaphore, #tpu.memory_space<semaphore_mem>>)
    %add3A_546 = arith.constant 128 : i32
    %add3A_547 = arith.addi %mul3A_2, %add3A_546 : i32
    %dma_start3A_548 = arith.constant 1 : i32
    %dma_start3A_549 = arith.constant 0 : i32
    %dma_start3A_550 = arith.constant 0 : i32
    %dma_start3A_551 = tpu.memref_slice %arg10[%dma_start3A_548, %dma_start3A_549, %dma_start3A_550] : memref<2x128x128xf32, #tpu.memory_space<vmem>> -> memref<1x128x128xf32, #tpu.memory_space<vmem>>
    %dma_start3A_552 = tpu.memref_squeeze %dma_start3A_551 : memref<1x128x128xf32, #tpu.memory_space<vmem>> -> memref<128x128xf32, #tpu.memory_space<vmem>>
    %dma_start3A_553 = arith.constant 0 : i32
    %dma_start3A_554 = tpu.memref_slice %arg7[%add3A_547, %dma_start3A_553] : memref<10112x128xf32, #tpu.memory_space<vmem_shared>> -> memref<128x128xf32, #tpu.memory_space<vmem_shared>>
    %dma_start3A_555 = arith.constant 0 : i32
    %dma_start3A_556 = arith.constant 0 : i32
    %dma_start3A_557 = tpu.memref_slice %arg10[%dma_start3A_548, %dma_start3A_555, %dma_start3A_556] : memref<2x128x128xf32, #tpu.memory_space<vmem>> -> memref<1x128x128xf32, #tpu.memory_space<vmem>>
    %dma_start3A_558 = tpu.memref_squeeze %dma_start3A_557 : memref<1x128x128xf32, #tpu.memory_space<vmem>> -> memref<128x128xf32, #tpu.memory_space<vmem>>
    %dma_start3A_559 = arith.constant 0 : i32
    %dma_start3A_560 = tpu.memref_slice %arg7[%add3A_547, %dma_start3A_559] : memref<10112x128xf32, #tpu.memory_space<vmem_shared>> -> memref<128x128xf32, #tpu.memory_space<vmem_shared>>
    tpu.enqueue_dma source(%dma_start3A_560 : memref<128x128xf32, #tpu.memory_space<vmem_shared>>) target(%dma_start3A_558 : memref<128x128xf32, #tpu.memory_space<vmem>>) target_semaphore(%arg12 : memref<!tpu.dma_semaphore, #tpu.memory_space<semaphore_mem>>)
    %add3A_561 = arith.constant 128 : i32
    %add3A_562 = arith.addi %mul3A_2, %add3A_561 : i32
    %dma_wait3A_563 = arith.constant 1 : i32
    %dma_wait3A_564 = arith.constant 0 : i32
    %dma_wait3A_565 = arith.constant 0 : i32
    %dma_wait3A_566 = tpu.memref_slice %arg10[%dma_wait3A_563, %dma_wait3A_564, %dma_wait3A_565] : memref<2x128x128xf32, #tpu.memory_space<vmem>> -> memref<1x128x128xf32, #tpu.memory_space<vmem>>
    %dma_wait3A_567 = tpu.memref_squeeze %dma_wait3A_566 : memref<1x128x128xf32, #tpu.memory_space<vmem>> -> memref<128x128xf32, #tpu.memory_space<vmem>>
    %dma_wait3A_568 = arith.constant 0 : i32
    %dma_wait3A_569 = tpu.memref_slice %arg7[%add3A_562, %dma_wait3A_568] : memref<10112x128xf32, #tpu.memory_space<vmem_shared>> -> memref<128x128xf32, #tpu.memory_space<vmem_shared>>
    %dma_wait3A_570 = arith.constant 0 : i32
    %dma_wait3A_571 = arith.constant 0 : i32
    %dma_wait3A_572 = tpu.memref_slice %arg10[%dma_wait3A_563, %dma_wait3A_570, %dma_wait3A_571] : memref<2x128x128xf32, #tpu.memory_space<vmem>> -> memref<1x128x128xf32, #tpu.memory_space<vmem>>
    %dma_wait3A_573 = tpu.memref_squeeze %dma_wait3A_572 : memref<1x128x128xf32, #tpu.memory_space<vmem>> -> memref<128x128xf32, #tpu.memory_space<vmem>>
    %dma_wait3A_574 = arith.constant 0 : i32
    %dma_wait3A_575 = tpu.memref_slice %arg7[%add3A_562, %dma_wait3A_574] : memref<10112x128xf32, #tpu.memory_space<vmem_shared>> -> memref<128x128xf32, #tpu.memory_space<vmem_shared>>
    tpu.wait_dma2 semaphore(%arg12 : memref<!tpu.dma_semaphore, #tpu.memory_space<semaphore_mem>>) src(%dma_wait3A_575 : memref<128x128xf32, #tpu.memory_space<vmem_shared>>) dst(%dma_wait3A_573 : memref<128x128xf32, #tpu.memory_space<vmem>>)
    %add3A_576 = arith.constant 128 : i32
    %add3A_577 = arith.addi %mul3A_2, %add3A_576 : i32
    %dma_start3A_578 = arith.constant 1 : i32
    %dma_start3A_579 = arith.constant 0 : i32
    %dma_start3A_580 = arith.constant 0 : i32
    %dma_start3A_581 = tpu.memref_slice %arg10[%dma_start3A_578, %dma_start3A_579, %dma_start3A_580] : memref<2x128x128xf32, #tpu.memory_space<vmem>> -> memref<1x128x128xf32, #tpu.memory_space<vmem>>
    %dma_start3A_582 = tpu.memref_squeeze %dma_start3A_581 : memref<1x128x128xf32, #tpu.memory_space<vmem>> -> memref<128x128xf32, #tpu.memory_space<vmem>>
    %dma_start3A_583 = arith.constant 0 : i32
    %dma_start3A_584 = tpu.memref_slice %arg6[%arg0, %add3A_577, %dma_start3A_583] : memref<2x10112x128xf32, #tpu.memory_space<hbm>> -> memref<1x128x128xf32, #tpu.memory_space<hbm>>
    %dma_start3A_585 = tpu.memref_squeeze %dma_start3A_584 : memref<1x128x128xf32, #tpu.memory_space<hbm>> -> memref<128x128xf32, #tpu.memory_space<hbm>>
    %dma_start3A_586 = arith.constant 0 : i32
    %dma_start3A_587 = tpu.memref_slice %arg6[%arg0, %add3A_577, %dma_start3A_586] : memref<2x10112x128xf32, #tpu.memory_space<hbm>> -> memref<1x128x128xf32, #tpu.memory_space<hbm>>
    %dma_start3A_588 = tpu.memref_squeeze %dma_start3A_587 : memref<1x128x128xf32, #tpu.memory_space<hbm>> -> memref<128x128xf32, #tpu.memory_space<hbm>>
    %dma_start3A_589 = arith.constant 0 : i32
    %dma_start3A_590 = arith.constant 0 : i32
    %dma_start3A_591 = tpu.memref_slice %arg10[%dma_start3A_578, %dma_start3A_589, %dma_start3A_590] : memref<2x128x128xf32, #tpu.memory_space<vmem>> -> memref<1x128x128xf32, #tpu.memory_space<vmem>>
    %dma_start3A_592 = tpu.memref_squeeze %dma_start3A_591 : memref<1x128x128xf32, #tpu.memory_space<vmem>> -> memref<128x128xf32, #tpu.memory_space<vmem>>
    tpu.enqueue_dma source(%dma_start3A_592 : memref<128x128xf32, #tpu.memory_space<vmem>>) target(%dma_start3A_588 : memref<128x128xf32, #tpu.memory_space<hbm>>) target_semaphore(%arg13 : memref<!tpu.dma_semaphore, #tpu.memory_space<semaphore_mem>>)
    %add3A_593 = arith.constant 0 : i32
    %add3A_594 = arith.addi %mul3A_2, %add3A_593 : i32
    %dma_wait3A_595 = arith.constant 0 : i32
    %dma_wait3A_596 = arith.constant 0 : i32
    %dma_wait3A_597 = arith.constant 0 : i32
    %dma_wait3A_598 = tpu.memref_slice %arg10[%dma_wait3A_595, %dma_wait3A_596, %dma_wait3A_597] : memref<2x128x128xf32, #tpu.memory_space<vmem>> -> memref<1x128x128xf32, #tpu.memory_space<vmem>>
    %dma_wait3A_599 = tpu.memref_squeeze %dma_wait3A_598 : memref<1x128x128xf32, #tpu.memory_space<vmem>> -> memref<128x128xf32, #tpu.memory_space<vmem>>
    %dma_wait3A_600 = arith.constant 0 : i32
    %dma_wait3A_601 = tpu.memref_slice %arg6[%arg0, %add3A_594, %dma_wait3A_600] : memref<2x10112x128xf32, #tpu.memory_space<hbm>> -> memref<1x128x128xf32, #tpu.memory_space<hbm>>
    %dma_wait3A_602 = tpu.memref_squeeze %dma_wait3A_601 : memref<1x128x128xf32, #tpu.memory_space<hbm>> -> memref<128x128xf32, #tpu.memory_space<hbm>>
    %dma_wait3A_603 = arith.constant 0 : i32
    %dma_wait3A_604 = tpu.memref_slice %arg6[%arg0, %add3A_594, %dma_wait3A_603] : memref<2x10112x128xf32, #tpu.memory_space<hbm>> -> memref<1x128x128xf32, #tpu.memory_space<hbm>>
    %dma_wait3A_605 = tpu.memref_squeeze %dma_wait3A_604 : memref<1x128x128xf32, #tpu.memory_space<hbm>> -> memref<128x128xf32, #tpu.memory_space<hbm>>
    %dma_wait3A_606 = arith.constant 0 : i32
    %dma_wait3A_607 = arith.constant 0 : i32
    %dma_wait3A_608 = tpu.memref_slice %arg10[%dma_wait3A_595, %dma_wait3A_606, %dma_wait3A_607] : memref<2x128x128xf32, #tpu.memory_space<vmem>> -> memref<1x128x128xf32, #tpu.memory_space<vmem>>
    %dma_wait3A_609 = tpu.memref_squeeze %dma_wait3A_608 : memref<1x128x128xf32, #tpu.memory_space<vmem>> -> memref<128x128xf32, #tpu.memory_space<vmem>>
    tpu.wait_dma2 semaphore(%arg13 : memref<!tpu.dma_semaphore, #tpu.memory_space<semaphore_mem>>) src(%dma_wait3A_609 : memref<128x128xf32, #tpu.memory_space<vmem>>) dst(%dma_wait3A_605 : memref<128x128xf32, #tpu.memory_space<hbm>>)
    %add3A_610 = arith.constant 256 : i32
    %add3A_611 = arith.addi %mul3A_2, %add3A_610 : i32
    %dma_start3A_612 = arith.constant 0 : i32
    %dma_start3A_613 = arith.constant 0 : i32
    %dma_start3A_614 = arith.constant 0 : i32
    %dma_start3A_615 = tpu.memref_slice %arg10[%dma_start3A_612, %dma_start3A_613, %dma_start3A_614] : memref<2x128x128xf32, #tpu.memory_space<vmem>> -> memref<1x128x128xf32, #tpu.memory_space<vmem>>
    %dma_start3A_616 = tpu.memref_squeeze %dma_start3A_615 : memref<1x128x128xf32, #tpu.memory_space<vmem>> -> memref<128x128xf32, #tpu.memory_space<vmem>>
    %dma_start3A_617 = arith.constant 0 : i32
    %dma_start3A_618 = tpu.memref_slice %arg7[%add3A_611, %dma_start3A_617] : memref<10112x128xf32, #tpu.memory_space<vmem_shared>> -> memref<128x128xf32, #tpu.memory_space<vmem_shared>>
    %dma_start3A_619 = arith.constant 0 : i32
    %dma_start3A_620 = arith.constant 0 : i32
    %dma_start3A_621 = tpu.memref_slice %arg10[%dma_start3A_612, %dma_start3A_619, %dma_start3A_620] : memref<2x128x128xf32, #tpu.memory_space<vmem>> -> memref<1x128x128xf32, #tpu.memory_space<vmem>>
    %dma_start3A_622 = tpu.memref_squeeze %dma_start3A_621 : memref<1x128x128xf32, #tpu.memory_space<vmem>> -> memref<128x128xf32, #tpu.memory_space<vmem>>
    %dma_start3A_623 = arith.constant 0 : i32
    %dma_start3A_624 = tpu.memref_slice %arg7[%add3A_611, %dma_start3A_623] : memref<10112x128xf32, #tpu.memory_space<vmem_shared>> -> memref<128x128xf32, #tpu.memory_space<vmem_shared>>
    tpu.enqueue_dma source(%dma_start3A_624 : memref<128x128xf32, #tpu.memory_space<vmem_shared>>) target(%dma_start3A_622 : memref<128x128xf32, #tpu.memory_space<vmem>>) target_semaphore(%arg12 : memref<!tpu.dma_semaphore, #tpu.memory_space<semaphore_mem>>)
    %add3A_625 = arith.constant 256 : i32
    %add3A_626 = arith.addi %mul3A_2, %add3A_625 : i32
    %dma_wait3A_627 = arith.constant 0 : i32
    %dma_wait3A_628 = arith.constant 0 : i32
    %dma_wait3A_629 = arith.constant 0 : i32
    %dma_wait3A_630 = tpu.memref_slice %arg10[%dma_wait3A_627, %dma_wait3A_628, %dma_wait3A_629] : memref<2x128x128xf32, #tpu.memory_space<vmem>> -> memref<1x128x128xf32, #tpu.memory_space<vmem>>
    %dma_wait3A_631 = tpu.memref_squeeze %dma_wait3A_630 : memref<1x128x128xf32, #tpu.memory_space<vmem>> -> memref<128x128xf32, #tpu.memory_space<vmem>>
    %dma_wait3A_632 = arith.constant 0 : i32
    %dma_wait3A_633 = tpu.memref_slice %arg7[%add3A_626, %dma_wait3A_632] : memref<10112x128xf32, #tpu.memory_space<vmem_shared>> -> memref<128x128xf32, #tpu.memory_space<vmem_shared>>
    %dma_wait3A_634 = arith.constant 0 : i32
    %dma_wait3A_635 = arith.constant 0 : i32
    %dma_wait3A_636 = tpu.memref_slice %arg10[%dma_wait3A_627, %dma_wait3A_634, %dma_wait3A_635] : memref<2x128x128xf32, #tpu.memory_space<vmem>> -> memref<1x128x128xf32, #tpu.memory_space<vmem>>
    %dma_wait3A_637 = tpu.memref_squeeze %dma_wait3A_636 : memref<1x128x128xf32, #tpu.memory_space<vmem>> -> memref<128x128xf32, #tpu.memory_space<vmem>>
    %dma_wait3A_638 = arith.constant 0 : i32
    %dma_wait3A_639 = tpu.memref_slice %arg7[%add3A_626, %dma_wait3A_638] : memref<10112x128xf32, #tpu.memory_space<vmem_shared>> -> memref<128x128xf32, #tpu.memory_space<vmem_shared>>
    tpu.wait_dma2 semaphore(%arg12 : memref<!tpu.dma_semaphore, #tpu.memory_space<semaphore_mem>>) src(%dma_wait3A_639 : memref<128x128xf32, #tpu.memory_space<vmem_shared>>) dst(%dma_wait3A_637 : memref<128x128xf32, #tpu.memory_space<vmem>>)
    %add3A_640 = arith.constant 256 : i32
    %add3A_641 = arith.addi %mul3A_2, %add3A_640 : i32
    %dma_start3A_642 = arith.constant 0 : i32
    %dma_start3A_643 = arith.constant 0 : i32
    %dma_start3A_644 = arith.constant 0 : i32
    %dma_start3A_645 = tpu.memref_slice %arg10[%dma_start3A_642, %dma_start3A_643, %dma_start3A_644] : memref<2x128x128xf32, #tpu.memory_space<vmem>> -> memref<1x128x128xf32, #tpu.memory_space<vmem>>
    %dma_start3A_646 = tpu.memref_squeeze %dma_start3A_645 : memref<1x128x128xf32, #tpu.memory_space<vmem>> -> memref<128x128xf32, #tpu.memory_space<vmem>>
    %dma_start3A_647 = arith.constant 0 : i32
    %dma_start3A_648 = tpu.memref_slice %arg6[%arg0, %add3A_641, %dma_start3A_647] : memref<2x10112x128xf32, #tpu.memory_space<hbm>> -> memref<1x128x128xf32, #tpu.memory_space<hbm>>
    %dma_start3A_649 = tpu.memref_squeeze %dma_start3A_648 : memref<1x128x128xf32, #tpu.memory_space<hbm>> -> memref<128x128xf32, #tpu.memory_space<hbm>>
    %dma_start3A_650 = arith.constant 0 : i32
    %dma_start3A_651 = tpu.memref_slice %arg6[%arg0, %add3A_641, %dma_start3A_650] : memref<2x10112x128xf32, #tpu.memory_space<hbm>> -> memref<1x128x128xf32, #tpu.memory_space<hbm>>
    %dma_start3A_652 = tpu.memref_squeeze %dma_start3A_651 : memref<1x128x128xf32, #tpu.memory_space<hbm>> -> memref<128x128xf32, #tpu.memory_space<hbm>>
    %dma_start3A_653 = arith.constant 0 : i32
    %dma_start3A_654 = arith.constant 0 : i32
    %dma_start3A_655 = tpu.memref_slice %arg10[%dma_start3A_642, %dma_start3A_653, %dma_start3A_654] : memref<2x128x128xf32, #tpu.memory_space<vmem>> -> memref<1x128x128xf32, #tpu.memory_space<vmem>>
    %dma_start3A_656 = tpu.memref_squeeze %dma_start3A_655 : memref<1x128x128xf32, #tpu.memory_space<vmem>> -> memref<128x128xf32, #tpu.memory_space<vmem>>
    tpu.enqueue_dma source(%dma_start3A_656 : memref<128x128xf32, #tpu.memory_space<vmem>>) target(%dma_start3A_652 : memref<128x128xf32, #tpu.memory_space<hbm>>) target_semaphore(%arg13 : memref<!tpu.dma_semaphore, #tpu.memory_space<semaphore_mem>>)
    %add3A_657 = arith.constant 128 : i32
    %add3A_658 = arith.addi %mul3A_2, %add3A_657 : i32
    %dma_wait3A_659 = arith.constant 1 : i32
    %dma_wait3A_660 = arith.constant 0 : i32
    %dma_wait3A_661 = arith.constant 0 : i32
    %dma_wait3A_662 = tpu.memref_slice %arg10[%dma_wait3A_659, %dma_wait3A_660, %dma_wait3A_661] : memref<2x128x128xf32, #tpu.memory_space<vmem>> -> memref<1x128x128xf32, #tpu.memory_space<vmem>>
    %dma_wait3A_663 = tpu.memref_squeeze %dma_wait3A_662 : memref<1x128x128xf32, #tpu.memory_space<vmem>> -> memref<128x128xf32, #tpu.memory_space<vmem>>
    %dma_wait3A_664 = arith.constant 0 : i32
    %dma_wait3A_665 = tpu.memref_slice %arg6[%arg0, %add3A_658, %dma_wait3A_664] : memref<2x10112x128xf32, #tpu.memory_space<hbm>> -> memref<1x128x128xf32, #tpu.memory_space<hbm>>
    %dma_wait3A_666 = tpu.memref_squeeze %dma_wait3A_665 : memref<1x128x128xf32, #tpu.memory_space<hbm>> -> memref<128x128xf32, #tpu.memory_space<hbm>>
    %dma_wait3A_667 = arith.constant 0 : i32
    %dma_wait3A_668 = tpu.memref_slice %arg6[%arg0, %add3A_658, %dma_wait3A_667] : memref<2x10112x128xf32, #tpu.memory_space<hbm>> -> memref<1x128x128xf32, #tpu.memory_space<hbm>>
    %dma_wait3A_669 = tpu.memref_squeeze %dma_wait3A_668 : memref<1x128x128xf32, #tpu.memory_space<hbm>> -> memref<128x128xf32, #tpu.memory_space<hbm>>
    %dma_wait3A_670 = arith.constant 0 : i32
    %dma_wait3A_671 = arith.constant 0 : i32
    %dma_wait3A_672 = tpu.memref_slice %arg10[%dma_wait3A_659, %dma_wait3A_670, %dma_wait3A_671] : memref<2x128x128xf32, #tpu.memory_space<vmem>> -> memref<1x128x128xf32, #tpu.memory_space<vmem>>
    %dma_wait3A_673 = tpu.memref_squeeze %dma_wait3A_672 : memref<1x128x128xf32, #tpu.memory_space<vmem>> -> memref<128x128xf32, #tpu.memory_space<vmem>>
    tpu.wait_dma2 semaphore(%arg13 : memref<!tpu.dma_semaphore, #tpu.memory_space<semaphore_mem>>) src(%dma_wait3A_673 : memref<128x128xf32, #tpu.memory_space<vmem>>) dst(%dma_wait3A_669 : memref<128x128xf32, #tpu.memory_space<hbm>>)
    %add3A_674 = arith.constant 384 : i32
    %add3A_675 = arith.addi %mul3A_2, %add3A_674 : i32
    %dma_start3A_676 = arith.constant 1 : i32
    %dma_start3A_677 = arith.constant 0 : i32
    %dma_start3A_678 = arith.constant 0 : i32
    %dma_start3A_679 = tpu.memref_slice %arg10[%dma_start3A_676, %dma_start3A_677, %dma_start3A_678] : memref<2x128x128xf32, #tpu.memory_space<vmem>> -> memref<1x128x128xf32, #tpu.memory_space<vmem>>
    %dma_start3A_680 = tpu.memref_squeeze %dma_start3A_679 : memref<1x128x128xf32, #tpu.memory_space<vmem>> -> memref<128x128xf32, #tpu.memory_space<vmem>>
    %dma_start3A_681 = arith.constant 0 : i32
    %dma_start3A_682 = tpu.memref_slice %arg7[%add3A_675, %dma_start3A_681] : memref<10112x128xf32, #tpu.memory_space<vmem_shared>> -> memref<128x128xf32, #tpu.memory_space<vmem_shared>>
    %dma_start3A_683 = arith.constant 0 : i32
    %dma_start3A_684 = arith.constant 0 : i32
    %dma_start3A_685 = tpu.memref_slice %arg10[%dma_start3A_676, %dma_start3A_683, %dma_start3A_684] : memref<2x128x128xf32, #tpu.memory_space<vmem>> -> memref<1x128x128xf32, #tpu.memory_space<vmem>>
    %dma_start3A_686 = tpu.memref_squeeze %dma_start3A_685 : memref<1x128x128xf32, #tpu.memory_space<vmem>> -> memref<128x128xf32, #tpu.memory_space<vmem>>
    %dma_start3A_687 = arith.constant 0 : i32
    %dma_start3A_688 = tpu.memref_slice %arg7[%add3A_675, %dma_start3A_687] : memref<10112x128xf32, #tpu.memory_space<vmem_shared>> -> memref<128x128xf32, #tpu.memory_space<vmem_shared>>
    tpu.enqueue_dma source(%dma_start3A_688 : memref<128x128xf32, #tpu.memory_space<vmem_shared>>) target(%dma_start3A_686 : memref<128x128xf32, #tpu.memory_space<vmem>>) target_semaphore(%arg12 : memref<!tpu.dma_semaphore, #tpu.memory_space<semaphore_mem>>)
    %add3A_689 = arith.constant 384 : i32
    %add3A_690 = arith.addi %mul3A_2, %add3A_689 : i32
    %dma_wait3A_691 = arith.constant 1 : i32
    %dma_wait3A_692 = arith.constant 0 : i32
    %dma_wait3A_693 = arith.constant 0 : i32
    %dma_wait3A_694 = tpu.memref_slice %arg10[%dma_wait3A_691, %dma_wait3A_692, %dma_wait3A_693] : memref<2x128x128xf32, #tpu.memory_space<vmem>> -> memref<1x128x128xf32, #tpu.memory_space<vmem>>
    %dma_wait3A_695 = tpu.memref_squeeze %dma_wait3A_694 : memref<1x128x128xf32, #tpu.memory_space<vmem>> -> memref<128x128xf32, #tpu.memory_space<vmem>>
    %dma_wait3A_696 = arith.constant 0 : i32
    %dma_wait3A_697 = tpu.memref_slice %arg7[%add3A_690, %dma_wait3A_696] : memref<10112x128xf32, #tpu.memory_space<vmem_shared>> -> memref<128x128xf32, #tpu.memory_space<vmem_shared>>
    %dma_wait3A_698 = arith.constant 0 : i32
    %dma_wait3A_699 = arith.constant 0 : i32
    %dma_wait3A_700 = tpu.memref_slice %arg10[%dma_wait3A_691, %dma_wait3A_698, %dma_wait3A_699] : memref<2x128x128xf32, #tpu.memory_space<vmem>> -> memref<1x128x128xf32, #tpu.memory_space<vmem>>
    %dma_wait3A_701 = tpu.memref_squeeze %dma_wait3A_700 : memref<1x128x128xf32, #tpu.memory_space<vmem>> -> memref<128x128xf32, #tpu.memory_space<vmem>>
    %dma_wait3A_702 = arith.constant 0 : i32
    %dma_wait3A_703 = tpu.memref_slice %arg7[%add3A_690, %dma_wait3A_702] : memref<10112x128xf32, #tpu.memory_space<vmem_shared>> -> memref<128x128xf32, #tpu.memory_space<vmem_shared>>
    tpu.wait_dma2 semaphore(%arg12 : memref<!tpu.dma_semaphore, #tpu.memory_space<semaphore_mem>>) src(%dma_wait3A_703 : memref<128x128xf32, #tpu.memory_space<vmem_shared>>) dst(%dma_wait3A_701 : memref<128x128xf32, #tpu.memory_space<vmem>>)
    %add3A_704 = arith.constant 384 : i32
    %add3A_705 = arith.addi %mul3A_2, %add3A_704 : i32
    %dma_start3A_706 = arith.constant 1 : i32
    %dma_start3A_707 = arith.constant 0 : i32
    %dma_start3A_708 = arith.constant 0 : i32
    %dma_start3A_709 = tpu.memref_slice %arg10[%dma_start3A_706, %dma_start3A_707, %dma_start3A_708] : memref<2x128x128xf32, #tpu.memory_space<vmem>> -> memref<1x128x128xf32, #tpu.memory_space<vmem>>
    %dma_start3A_710 = tpu.memref_squeeze %dma_start3A_709 : memref<1x128x128xf32, #tpu.memory_space<vmem>> -> memref<128x128xf32, #tpu.memory_space<vmem>>
    %dma_start3A_711 = arith.constant 0 : i32
    %dma_start3A_712 = tpu.memref_slice %arg6[%arg0, %add3A_705, %dma_start3A_711] : memref<2x10112x128xf32, #tpu.memory_space<hbm>> -> memref<1x128x128xf32, #tpu.memory_space<hbm>>
    %dma_start3A_713 = tpu.memref_squeeze %dma_start3A_712 : memref<1x128x128xf32, #tpu.memory_space<hbm>> -> memref<128x128xf32, #tpu.memory_space<hbm>>
    %dma_start3A_714 = arith.constant 0 : i32
    %dma_start3A_715 = tpu.memref_slice %arg6[%arg0, %add3A_705, %dma_start3A_714] : memref<2x10112x128xf32, #tpu.memory_space<hbm>> -> memref<1x128x128xf32, #tpu.memory_space<hbm>>
    %dma_start3A_716 = tpu.memref_squeeze %dma_start3A_715 : memref<1x128x128xf32, #tpu.memory_space<hbm>> -> memref<128x128xf32, #tpu.memory_space<hbm>>
    %dma_start3A_717 = arith.constant 0 : i32
    %dma_start3A_718 = arith.constant 0 : i32
    %dma_start3A_719 = tpu.memref_slice %arg10[%dma_start3A_706, %dma_start3A_717, %dma_start3A_718] : memref<2x128x128xf32, #tpu.memory_space<vmem>> -> memref<1x128x128xf32, #tpu.memory_space<vmem>>
    %dma_start3A_720 = tpu.memref_squeeze %dma_start3A_719 : memref<1x128x128xf32, #tpu.memory_space<vmem>> -> memref<128x128xf32, #tpu.memory_space<vmem>>
    tpu.enqueue_dma source(%dma_start3A_720 : memref<128x128xf32, #tpu.memory_space<vmem>>) target(%dma_start3A_716 : memref<128x128xf32, #tpu.memory_space<hbm>>) target_semaphore(%arg13 : memref<!tpu.dma_semaphore, #tpu.memory_space<semaphore_mem>>)
    %add3A_721 = arith.constant 256 : i32
    %add3A_722 = arith.addi %mul3A_2, %add3A_721 : i32
    %dma_wait3A_723 = arith.constant 0 : i32
    %dma_wait3A_724 = arith.constant 0 : i32
    %dma_wait3A_725 = arith.constant 0 : i32
    %dma_wait3A_726 = tpu.memref_slice %arg10[%dma_wait3A_723, %dma_wait3A_724, %dma_wait3A_725] : memref<2x128x128xf32, #tpu.memory_space<vmem>> -> memref<1x128x128xf32, #tpu.memory_space<vmem>>
    %dma_wait3A_727 = tpu.memref_squeeze %dma_wait3A_726 : memref<1x128x128xf32, #tpu.memory_space<vmem>> -> memref<128x128xf32, #tpu.memory_space<vmem>>
    %dma_wait3A_728 = arith.constant 0 : i32
    %dma_wait3A_729 = tpu.memref_slice %arg6[%arg0, %add3A_722, %dma_wait3A_728] : memref<2x10112x128xf32, #tpu.memory_space<hbm>> -> memref<1x128x128xf32, #tpu.memory_space<hbm>>
    %dma_wait3A_730 = tpu.memref_squeeze %dma_wait3A_729 : memref<1x128x128xf32, #tpu.memory_space<hbm>> -> memref<128x128xf32, #tpu.memory_space<hbm>>
    %dma_wait3A_731 = arith.constant 0 : i32
    %dma_wait3A_732 = tpu.memref_slice %arg6[%arg0, %add3A_722, %dma_wait3A_731] : memref<2x10112x128xf32, #tpu.memory_space<hbm>> -> memref<1x128x128xf32, #tpu.memory_space<hbm>>
    %dma_wait3A_733 = tpu.memref_squeeze %dma_wait3A_732 : memref<1x128x128xf32, #tpu.memory_space<hbm>> -> memref<128x128xf32, #tpu.memory_space<hbm>>
    %dma_wait3A_734 = arith.constant 0 : i32
    %dma_wait3A_735 = arith.constant 0 : i32
    %dma_wait3A_736 = tpu.memref_slice %arg10[%dma_wait3A_723, %dma_wait3A_734, %dma_wait3A_735] : memref<2x128x128xf32, #tpu.memory_space<vmem>> -> memref<1x128x128xf32, #tpu.memory_space<vmem>>
    %dma_wait3A_737 = tpu.memref_squeeze %dma_wait3A_736 : memref<1x128x128xf32, #tpu.memory_space<vmem>> -> memref<128x128xf32, #tpu.memory_space<vmem>>
    tpu.wait_dma2 semaphore(%arg13 : memref<!tpu.dma_semaphore, #tpu.memory_space<semaphore_mem>>) src(%dma_wait3A_737 : memref<128x128xf32, #tpu.memory_space<vmem>>) dst(%dma_wait3A_733 : memref<128x128xf32, #tpu.memory_space<hbm>>)
    %add3A_738 = arith.constant 512 : i32
    %add3A_739 = arith.addi %mul3A_2, %add3A_738 : i32
    %dma_start3A_740 = arith.constant 0 : i32
    %dma_start3A_741 = arith.constant 0 : i32
    %dma_start3A_742 = arith.constant 0 : i32
    %dma_start3A_743 = tpu.memref_slice %arg10[%dma_start3A_740, %dma_start3A_741, %dma_start3A_742] : memref<2x128x128xf32, #tpu.memory_space<vmem>> -> memref<1x120x128xf32, #tpu.memory_space<vmem>>
    %dma_start3A_744 = tpu.memref_squeeze %dma_start3A_743 : memref<1x120x128xf32, #tpu.memory_space<vmem>> -> memref<120x128xf32, #tpu.memory_space<vmem>>
    %dma_start3A_745 = arith.constant 0 : i32
    %dma_start3A_746 = tpu.memref_slice %arg7[%add3A_739, %dma_start3A_745] : memref<10112x128xf32, #tpu.memory_space<vmem_shared>> -> memref<120x128xf32, #tpu.memory_space<vmem_shared>>
    %dma_start3A_747 = arith.constant 0 : i32
    %dma_start3A_748 = arith.constant 0 : i32
    %dma_start3A_749 = tpu.memref_slice %arg10[%dma_start3A_740, %dma_start3A_747, %dma_start3A_748] : memref<2x128x128xf32, #tpu.memory_space<vmem>> -> memref<1x120x128xf32, #tpu.memory_space<vmem>>
    %dma_start3A_750 = tpu.memref_squeeze %dma_start3A_749 : memref<1x120x128xf32, #tpu.memory_space<vmem>> -> memref<120x128xf32, #tpu.memory_space<vmem>>
    %dma_start3A_751 = arith.constant 0 : i32
    %dma_start3A_752 = tpu.memref_slice %arg7[%add3A_739, %dma_start3A_751] : memref<10112x128xf32, #tpu.memory_space<vmem_shared>> -> memref<120x128xf32, #tpu.memory_space<vmem_shared>>
    tpu.enqueue_dma source(%dma_start3A_752 : memref<120x128xf32, #tpu.memory_space<vmem_shared>>) target(%dma_start3A_750 : memref<120x128xf32, #tpu.memory_space<vmem>>) target_semaphore(%arg12 : memref<!tpu.dma_semaphore, #tpu.memory_space<semaphore_mem>>)
    %add3A_753 = arith.constant 512 : i32
    %add3A_754 = arith.addi %mul3A_2, %add3A_753 : i32
    %dma_wait3A_755 = arith.constant 0 : i32
    %dma_wait3A_756 = arith.constant 0 : i32
    %dma_wait3A_757 = arith.constant 0 : i32
    %dma_wait3A_758 = tpu.memref_slice %arg10[%dma_wait3A_755, %dma_wait3A_756, %dma_wait3A_757] : memref<2x128x128xf32, #tpu.memory_space<vmem>> -> memref<1x120x128xf32, #tpu.memory_space<vmem>>
    %dma_wait3A_759 = tpu.memref_squeeze %dma_wait3A_758 : memref<1x120x128xf32, #tpu.memory_space<vmem>> -> memref<120x128xf32, #tpu.memory_space<vmem>>
    %dma_wait3A_760 = arith.constant 0 : i32
    %dma_wait3A_761 = tpu.memref_slice %arg7[%add3A_754, %dma_wait3A_760] : memref<10112x128xf32, #tpu.memory_space<vmem_shared>> -> memref<120x128xf32, #tpu.memory_space<vmem_shared>>
    %dma_wait3A_762 = arith.constant 0 : i32
    %dma_wait3A_763 = arith.constant 0 : i32
    %dma_wait3A_764 = tpu.memref_slice %arg10[%dma_wait3A_755, %dma_wait3A_762, %dma_wait3A_763] : memref<2x128x128xf32, #tpu.memory_space<vmem>> -> memref<1x120x128xf32, #tpu.memory_space<vmem>>
    %dma_wait3A_765 = tpu.memref_squeeze %dma_wait3A_764 : memref<1x120x128xf32, #tpu.memory_space<vmem>> -> memref<120x128xf32, #tpu.memory_space<vmem>>
    %dma_wait3A_766 = arith.constant 0 : i32
    %dma_wait3A_767 = tpu.memref_slice %arg7[%add3A_754, %dma_wait3A_766] : memref<10112x128xf32, #tpu.memory_space<vmem_shared>> -> memref<120x128xf32, #tpu.memory_space<vmem_shared>>
    tpu.wait_dma2 semaphore(%arg12 : memref<!tpu.dma_semaphore, #tpu.memory_space<semaphore_mem>>) src(%dma_wait3A_767 : memref<120x128xf32, #tpu.memory_space<vmem_shared>>) dst(%dma_wait3A_765 : memref<120x128xf32, #tpu.memory_space<vmem>>)
    %add3A_768 = arith.constant 512 : i32
    %add3A_769 = arith.addi %mul3A_2, %add3A_768 : i32
    %dma_start3A_770 = arith.constant 0 : i32
    %dma_start3A_771 = arith.constant 0 : i32
    %dma_start3A_772 = arith.constant 0 : i32
    %dma_start3A_773 = tpu.memref_slice %arg10[%dma_start3A_770, %dma_start3A_771, %dma_start3A_772] : memref<2x128x128xf32, #tpu.memory_space<vmem>> -> memref<1x120x128xf32, #tpu.memory_space<vmem>>
    %dma_start3A_774 = tpu.memref_squeeze %dma_start3A_773 : memref<1x120x128xf32, #tpu.memory_space<vmem>> -> memref<120x128xf32, #tpu.memory_space<vmem>>
    %dma_start3A_775 = arith.constant 0 : i32
    %dma_start3A_776 = tpu.memref_slice %arg6[%arg0, %add3A_769, %dma_start3A_775] : memref<2x10112x128xf32, #tpu.memory_space<hbm>> -> memref<1x120x128xf32, #tpu.memory_space<hbm>>
    %dma_start3A_777 = tpu.memref_squeeze %dma_start3A_776 : memref<1x120x128xf32, #tpu.memory_space<hbm>> -> memref<120x128xf32, #tpu.memory_space<hbm>>
    %dma_start3A_778 = arith.constant 0 : i32
    %dma_start3A_779 = tpu.memref_slice %arg6[%arg0, %add3A_769, %dma_start3A_778] : memref<2x10112x128xf32, #tpu.memory_space<hbm>> -> memref<1x120x128xf32, #tpu.memory_space<hbm>>
    %dma_start3A_780 = tpu.memref_squeeze %dma_start3A_779 : memref<1x120x128xf32, #tpu.memory_space<hbm>> -> memref<120x128xf32, #tpu.memory_space<hbm>>
    %dma_start3A_781 = arith.constant 0 : i32
    %dma_start3A_782 = arith.constant 0 : i32
    %dma_start3A_783 = tpu.memref_slice %arg10[%dma_start3A_770, %dma_start3A_781, %dma_start3A_782] : memref<2x128x128xf32, #tpu.memory_space<vmem>> -> memref<1x120x128xf32, #tpu.memory_space<vmem>>
    %dma_start3A_784 = tpu.memref_squeeze %dma_start3A_783 : memref<1x120x128xf32, #tpu.memory_space<vmem>> -> memref<120x128xf32, #tpu.memory_space<vmem>>
    tpu.enqueue_dma source(%dma_start3A_784 : memref<120x128xf32, #tpu.memory_space<vmem>>) target(%dma_start3A_780 : memref<120x128xf32, #tpu.memory_space<hbm>>) target_semaphore(%arg13 : memref<!tpu.dma_semaphore, #tpu.memory_space<semaphore_mem>>)
    %add3A_785 = arith.constant 384 : i32
    %add3A_786 = arith.addi %mul3A_2, %add3A_785 : i32
    %dma_wait3A_787 = arith.constant 1 : i32
    %dma_wait3A_788 = arith.constant 0 : i32
    %dma_wait3A_789 = arith.constant 0 : i32
    %dma_wait3A_790 = tpu.memref_slice %arg10[%dma_wait3A_787, %dma_wait3A_788, %dma_wait3A_789] : memref<2x128x128xf32, #tpu.memory_space<vmem>> -> memref<1x128x128xf32, #tpu.memory_space<vmem>>
    %dma_wait3A_791 = tpu.memref_squeeze %dma_wait3A_790 : memref<1x128x128xf32, #tpu.memory_space<vmem>> -> memref<128x128xf32, #tpu.memory_space<vmem>>
    %dma_wait3A_792 = arith.constant 0 : i32
    %dma_wait3A_793 = tpu.memref_slice %arg6[%arg0, %add3A_786, %dma_wait3A_792] : memref<2x10112x128xf32, #tpu.memory_space<hbm>> -> memref<1x128x128xf32, #tpu.memory_space<hbm>>
    %dma_wait3A_794 = tpu.memref_squeeze %dma_wait3A_793 : memref<1x128x128xf32, #tpu.memory_space<hbm>> -> memref<128x128xf32, #tpu.memory_space<hbm>>
    %dma_wait3A_795 = arith.constant 0 : i32
    %dma_wait3A_796 = tpu.memref_slice %arg6[%arg0, %add3A_786, %dma_wait3A_795] : memref<2x10112x128xf32, #tpu.memory_space<hbm>> -> memref<1x128x128xf32, #tpu.memory_space<hbm>>
    %dma_wait3A_797 = tpu.memref_squeeze %dma_wait3A_796 : memref<1x128x128xf32, #tpu.memory_space<hbm>> -> memref<128x128xf32, #tpu.memory_space<hbm>>
    %dma_wait3A_798 = arith.constant 0 : i32
    %dma_wait3A_799 = arith.constant 0 : i32
    %dma_wait3A_800 = tpu.memref_slice %arg10[%dma_wait3A_787, %dma_wait3A_798, %dma_wait3A_799] : memref<2x128x128xf32, #tpu.memory_space<vmem>> -> memref<1x128x128xf32, #tpu.memory_space<vmem>>
    %dma_wait3A_801 = tpu.memref_squeeze %dma_wait3A_800 : memref<1x128x128xf32, #tpu.memory_space<vmem>> -> memref<128x128xf32, #tpu.memory_space<vmem>>
    tpu.wait_dma2 semaphore(%arg13 : memref<!tpu.dma_semaphore, #tpu.memory_space<semaphore_mem>>) src(%dma_wait3A_801 : memref<128x128xf32, #tpu.memory_space<vmem>>) dst(%dma_wait3A_797 : memref<128x128xf32, #tpu.memory_space<hbm>>)
    %add3A_802 = arith.constant 512 : i32
    %add3A_803 = arith.addi %mul3A_2, %add3A_802 : i32
    %dma_wait3A_804 = arith.constant 0 : i32
    %dma_wait3A_805 = arith.constant 0 : i32
    %dma_wait3A_806 = arith.constant 0 : i32
    %dma_wait3A_807 = tpu.memref_slice %arg10[%dma_wait3A_804, %dma_wait3A_805, %dma_wait3A_806] : memref<2x128x128xf32, #tpu.memory_space<vmem>> -> memref<1x120x128xf32, #tpu.memory_space<vmem>>
    %dma_wait3A_808 = tpu.memref_squeeze %dma_wait3A_807 : memref<1x120x128xf32, #tpu.memory_space<vmem>> -> memref<120x128xf32, #tpu.memory_space<vmem>>
    %dma_wait3A_809 = arith.constant 0 : i32
    %dma_wait3A_810 = tpu.memref_slice %arg6[%arg0, %add3A_803, %dma_wait3A_809] : memref<2x10112x128xf32, #tpu.memory_space<hbm>> -> memref<1x120x128xf32, #tpu.memory_space<hbm>>
    %dma_wait3A_811 = tpu.memref_squeeze %dma_wait3A_810 : memref<1x120x128xf32, #tpu.memory_space<hbm>> -> memref<120x128xf32, #tpu.memory_space<hbm>>
    %dma_wait3A_812 = arith.constant 0 : i32
    %dma_wait3A_813 = tpu.memref_slice %arg6[%arg0, %add3A_803, %dma_wait3A_812] : memref<2x10112x128xf32, #tpu.memory_space<hbm>> -> memref<1x120x128xf32, #tpu.memory_space<hbm>>
    %dma_wait3A_814 = tpu.memref_squeeze %dma_wait3A_813 : memref<1x120x128xf32, #tpu.memory_space<hbm>> -> memref<120x128xf32, #tpu.memory_space<hbm>>
    %dma_wait3A_815 = arith.constant 0 : i32
    %dma_wait3A_816 = arith.constant 0 : i32
    %dma_wait3A_817 = tpu.memref_slice %arg10[%dma_wait3A_804, %dma_wait3A_815, %dma_wait3A_816] : memref<2x128x128xf32, #tpu.memory_space<vmem>> -> memref<1x120x128xf32, #tpu.memory_space<vmem>>
    %dma_wait3A_818 = tpu.memref_squeeze %dma_wait3A_817 : memref<1x120x128xf32, #tpu.memory_space<vmem>> -> memref<120x128xf32, #tpu.memory_space<vmem>>
    tpu.wait_dma2 semaphore(%arg13 : memref<!tpu.dma_semaphore, #tpu.memory_space<semaphore_mem>>) src(%dma_wait3A_818 : memref<120x128xf32, #tpu.memory_space<vmem>>) dst(%dma_wait3A_814 : memref<120x128xf32, #tpu.memory_space<hbm>>)
    return
  }
}

module attributes {stable_mosaic.version = 14 : i64} {
  func.func @_mm_body(%arg0: i32, %arg1: memref<2528x128xf32, #tpu.memory_space<vmem>>, %arg2: memref<128x128xf32, #tpu.memory_space<vmem>>, %arg3: memref<128x1xf32, #tpu.memory_space<vmem>>, %arg4: memref<2528x2xf32, #tpu.memory_space<vmem>>, %arg5: memref<2528x128xf32, #tpu.memory_space<vmem>>, %arg6: memref<128x128xf32, #tpu.memory_space<vmem>>) attributes {dimension_semantics = [#tpu.dimension_semantics<arbitrary>], iteration_bounds = array<i64: 4>, scalar_prefetch = 0 : i64, scratch_operands = 1 : i64, tpu.core_type = #tpu.core_type<tc>, window_params = [{transform_indices = @transform_0, window_bounds = array<i64: 2528, 128>}, {pipeline_mode = #tpu.pipeline_mode<synchronous>, transform_indices = @transform_1, window_bounds = array<i64: 128, 128>}, {pipeline_mode = #tpu.pipeline_mode<synchronous>, transform_indices = @transform_2, window_bounds = array<i64: 128, 1>}, {transform_indices = @transform_3, window_bounds = array<i64: 2528, 2>}, {transform_indices = @transform_4, window_bounds = array<i64: 2528, 128>}]} {
    %eq3A = arith.constant 0 : i32
    %eq3A_0 = arith.cmpi eq, %arg0, %eq3A : i32
    %convert_element_type3A = arith.extui %eq3A_0 : i1 to i32
    %cond3A = arith.constant 0 : i32
    %cond3A_1 = arith.cmpi ne, %convert_element_type3A, %cond3A : i32
    scf.if %cond3A_1 {
      %get3A_22 = arith.constant 0 : index
      %get3A_23 = arith.constant 0 : index
      %get3A_24 = vector.load %arg2[%get3A_22, %get3A_23] : memref<128x128xf32, #tpu.memory_space<vmem>>, vector<128x128xf32>
      %get3A_25 = arith.constant 0 : index
      %get3A_26 = arith.constant 0 : index
      %get3A_27 = vector.load %arg3[%get3A_25, %get3A_26] : memref<128x1xf32, #tpu.memory_space<vmem>>, vector<128x1xf32>
      %dot_general3A_28 = arith.constant dense<0.000000e+00> : vector<128x1xf32>
      %dot_general3A_29 = tpu.matmul %get3A_24, %get3A_27, %dot_general3A_28 {dimension_numbers = #tpu.dot_dimension_numbers<[0], [0], [1], [1], [0, 1, 1, 1], [], []>, transpose_lhs_hint = false} : vector<128x128xf32>, vector<128x1xf32>, vector<128x1xf32> -> vector<128x1xf32>
      %mul3A_30 = arith.mulf %dot_general3A_29, %dot_general3A_29 : vector<128x1xf32>
      %reduce_sum3A = vector.shape_cast %mul3A_30 : vector<128x1xf32> to vector<1x128x1xf32>
      %reduce_sum3A_31 = arith.constant dense<0.000000e+00> : vector<1xf32>
      %reduce_sum3A_32 = vector.multi_reduction <add>, %reduce_sum3A, %reduce_sum3A_31 [1, 2] : vector<1x128x1xf32> to vector<1xf32>
      %reduce_sum3A_33 = vector.shape_cast %reduce_sum3A_32 : vector<1xf32> to vector<1x1x1xf32>
      %reduce_sum3A_34 = vector.extract %reduce_sum3A_33[0, 0, 0] : f32 from vector<1x1x1xf32>
      %sqrt3A = math.sqrt %reduce_sum3A_34 : f32
      %add3A_35 = arith.constant 9.99999996E-13 : f32
      %add3A_36 = arith.addf %sqrt3A, %add3A_35 : f32
      %div3A = vector.broadcast %add3A_36 : f32 to vector<128x1xf32>
      %div3A_37 = arith.divf %dot_general3A_29, %div3A : vector<128x1xf32>
      %dot_general3A_38 = arith.constant dense<0.000000e+00> : vector<128x1xf32>
      %dot_general3A_39 = tpu.matmul %get3A_24, %div3A_37, %dot_general3A_38 {dimension_numbers = #tpu.dot_dimension_numbers<[1], [0], [0], [1], [0, 0, 1, 1], [], []>, transpose_lhs_hint = false} : vector<128x128xf32>, vector<128x1xf32>, vector<128x1xf32> -> vector<128x1xf32>
      %mul3A_40 = arith.mulf %dot_general3A_39, %dot_general3A_39 : vector<128x1xf32>
      %reduce_sum3A_41 = vector.shape_cast %mul3A_40 : vector<128x1xf32> to vector<1x128x1xf32>
      %reduce_sum3A_42 = arith.constant dense<0.000000e+00> : vector<1xf32>
      %reduce_sum3A_43 = vector.multi_reduction <add>, %reduce_sum3A_41, %reduce_sum3A_42 [1, 2] : vector<1x128x1xf32> to vector<1xf32>
      %reduce_sum3A_44 = vector.shape_cast %reduce_sum3A_43 : vector<1xf32> to vector<1x1x1xf32>
      %reduce_sum3A_45 = vector.extract %reduce_sum3A_44[0, 0, 0] : f32 from vector<1x1x1xf32>
      %sqrt3A_46 = math.sqrt %reduce_sum3A_45 : f32
      %add3A_47 = arith.constant 9.99999996E-13 : f32
      %add3A_48 = arith.addf %sqrt3A_46, %add3A_47 : f32
      %div3A_49 = vector.broadcast %add3A_48 : f32 to vector<128x1xf32>
      %div3A_50 = arith.divf %dot_general3A_39, %div3A_49 : vector<128x1xf32>
      %dot_general3A_51 = arith.constant dense<0.000000e+00> : vector<128x1xf32>
      %dot_general3A_52 = tpu.matmul %get3A_24, %div3A_50, %dot_general3A_51 {dimension_numbers = #tpu.dot_dimension_numbers<[0], [0], [1], [1], [0, 1, 1, 1], [], []>, transpose_lhs_hint = false} : vector<128x128xf32>, vector<128x1xf32>, vector<128x1xf32> -> vector<128x1xf32>
      %mul3A_53 = arith.mulf %dot_general3A_52, %dot_general3A_52 : vector<128x1xf32>
      %reduce_sum3A_54 = vector.shape_cast %mul3A_53 : vector<128x1xf32> to vector<1x128x1xf32>
      %reduce_sum3A_55 = arith.constant dense<0.000000e+00> : vector<1xf32>
      %reduce_sum3A_56 = vector.multi_reduction <add>, %reduce_sum3A_54, %reduce_sum3A_55 [1, 2] : vector<1x128x1xf32> to vector<1xf32>
      %reduce_sum3A_57 = vector.shape_cast %reduce_sum3A_56 : vector<1xf32> to vector<1x1x1xf32>
      %reduce_sum3A_58 = vector.extract %reduce_sum3A_57[0, 0, 0] : f32 from vector<1x1x1xf32>
      %sqrt3A_59 = math.sqrt %reduce_sum3A_58 : f32
      %add3A_60 = arith.constant 9.99999996E-13 : f32
      %add3A_61 = arith.addf %sqrt3A_59, %add3A_60 : f32
      %div3A_62 = vector.broadcast %add3A_61 : f32 to vector<128x1xf32>
      %div3A_63 = arith.divf %dot_general3A_52, %div3A_62 : vector<128x1xf32>
      %dot_general3A_64 = arith.constant dense<0.000000e+00> : vector<128x1xf32>
      %dot_general3A_65 = tpu.matmul %get3A_24, %div3A_63, %dot_general3A_64 {dimension_numbers = #tpu.dot_dimension_numbers<[1], [0], [0], [1], [0, 0, 1, 1], [], []>, transpose_lhs_hint = false} : vector<128x128xf32>, vector<128x1xf32>, vector<128x1xf32> -> vector<128x1xf32>
      %mul3A_66 = arith.mulf %dot_general3A_65, %dot_general3A_65 : vector<128x1xf32>
      %reduce_sum3A_67 = vector.shape_cast %mul3A_66 : vector<128x1xf32> to vector<1x128x1xf32>
      %reduce_sum3A_68 = arith.constant dense<0.000000e+00> : vector<1xf32>
      %reduce_sum3A_69 = vector.multi_reduction <add>, %reduce_sum3A_67, %reduce_sum3A_68 [1, 2] : vector<1x128x1xf32> to vector<1xf32>
      %reduce_sum3A_70 = vector.shape_cast %reduce_sum3A_69 : vector<1xf32> to vector<1x1x1xf32>
      %reduce_sum3A_71 = vector.extract %reduce_sum3A_70[0, 0, 0] : f32 from vector<1x1x1xf32>
      %sqrt3A_72 = math.sqrt %reduce_sum3A_71 : f32
      %add3A_73 = arith.constant 9.99999996E-13 : f32
      %add3A_74 = arith.addf %sqrt3A_72, %add3A_73 : f32
      %div3A_75 = vector.broadcast %add3A_74 : f32 to vector<128x1xf32>
      %div3A_76 = arith.divf %dot_general3A_65, %div3A_75 : vector<128x1xf32>
      %dot_general3A_77 = arith.constant dense<0.000000e+00> : vector<128x1xf32>
      %dot_general3A_78 = tpu.matmul %get3A_24, %div3A_76, %dot_general3A_77 {dimension_numbers = #tpu.dot_dimension_numbers<[0], [0], [1], [1], [0, 1, 1, 1], [], []>, transpose_lhs_hint = false} : vector<128x128xf32>, vector<128x1xf32>, vector<128x1xf32> -> vector<128x1xf32>
      %mul3A_79 = arith.mulf %dot_general3A_78, %dot_general3A_78 : vector<128x1xf32>
      %reduce_sum3A_80 = vector.shape_cast %mul3A_79 : vector<128x1xf32> to vector<1x128x1xf32>
      %reduce_sum3A_81 = arith.constant dense<0.000000e+00> : vector<1xf32>
      %reduce_sum3A_82 = vector.multi_reduction <add>, %reduce_sum3A_80, %reduce_sum3A_81 [1, 2] : vector<1x128x1xf32> to vector<1xf32>
      %reduce_sum3A_83 = vector.shape_cast %reduce_sum3A_82 : vector<1xf32> to vector<1x1x1xf32>
      %reduce_sum3A_84 = vector.extract %reduce_sum3A_83[0, 0, 0] : f32 from vector<1x1x1xf32>
      %sqrt3A_85 = math.sqrt %reduce_sum3A_84 : f32
      %add3A_86 = arith.constant 9.99999996E-13 : f32
      %add3A_87 = arith.addf %sqrt3A_85, %add3A_86 : f32
      %div3A_88 = vector.broadcast %add3A_87 : f32 to vector<128x1xf32>
      %div3A_89 = arith.divf %dot_general3A_78, %div3A_88 : vector<128x1xf32>
      %dot_general3A_90 = arith.constant dense<0.000000e+00> : vector<128x1xf32>
      %dot_general3A_91 = tpu.matmul %get3A_24, %div3A_89, %dot_general3A_90 {dimension_numbers = #tpu.dot_dimension_numbers<[1], [0], [0], [1], [0, 0, 1, 1], [], []>, transpose_lhs_hint = false} : vector<128x128xf32>, vector<128x1xf32>, vector<128x1xf32> -> vector<128x1xf32>
      %mul3A_92 = arith.mulf %dot_general3A_91, %dot_general3A_91 : vector<128x1xf32>
      %reduce_sum3A_93 = vector.shape_cast %mul3A_92 : vector<128x1xf32> to vector<1x128x1xf32>
      %reduce_sum3A_94 = arith.constant dense<0.000000e+00> : vector<1xf32>
      %reduce_sum3A_95 = vector.multi_reduction <add>, %reduce_sum3A_93, %reduce_sum3A_94 [1, 2] : vector<1x128x1xf32> to vector<1xf32>
      %reduce_sum3A_96 = vector.shape_cast %reduce_sum3A_95 : vector<1xf32> to vector<1x1x1xf32>
      %reduce_sum3A_97 = vector.extract %reduce_sum3A_96[0, 0, 0] : f32 from vector<1x1x1xf32>
      %sqrt3A_98 = math.sqrt %reduce_sum3A_97 : f32
      %add3A_99 = arith.constant 9.99999996E-13 : f32
      %add3A_100 = arith.addf %sqrt3A_98, %add3A_99 : f32
      %div3A_101 = vector.broadcast %add3A_100 : f32 to vector<128x1xf32>
      %div3A_102 = arith.divf %dot_general3A_91, %div3A_101 : vector<128x1xf32>
      %dot_general3A_103 = arith.constant dense<0.000000e+00> : vector<128x1xf32>
      %dot_general3A_104 = tpu.matmul %get3A_24, %div3A_89, %dot_general3A_103 {dimension_numbers = #tpu.dot_dimension_numbers<[1], [0], [0], [1], [0, 0, 1, 1], [], []>, transpose_lhs_hint = false} : vector<128x128xf32>, vector<128x1xf32>, vector<128x1xf32> -> vector<128x1xf32>
      %mul3A_105 = arith.mulf %div3A_102, %dot_general3A_104 : vector<128x1xf32>
      %reduce_sum3A_106 = vector.shape_cast %mul3A_105 : vector<128x1xf32> to vector<1x128x1xf32>
      %reduce_sum3A_107 = arith.constant dense<0.000000e+00> : vector<1xf32>
      %reduce_sum3A_108 = vector.multi_reduction <add>, %reduce_sum3A_106, %reduce_sum3A_107 [1, 2] : vector<1x128x1xf32> to vector<1xf32>
      %reduce_sum3A_109 = vector.shape_cast %reduce_sum3A_108 : vector<1xf32> to vector<1x1x1xf32>
      %reduce_sum3A_110 = vector.extract %reduce_sum3A_109[0, 0, 0] : f32 from vector<1x1x1xf32>
      %get3A_111 = arith.constant 0 : index
      %get3A_112 = arith.constant 0 : index
      %get3A_113 = vector.load %arg2[%get3A_111, %get3A_112] : memref<128x128xf32, #tpu.memory_space<vmem>>, vector<128x128xf32>
      %div3A_114 = vector.broadcast %reduce_sum3A_110 : f32 to vector<128x128xf32>
      %div3A_115 = arith.divf %get3A_113, %div3A_114 : vector<128x128xf32>
      %swap3A_116 = arith.constant 0 : index
      %swap3A_117 = arith.constant 0 : index
      %swap3A_118 = vector.load %arg6[%swap3A_116, %swap3A_117] : memref<128x128xf32, #tpu.memory_space<vmem>>, vector<128x128xf32>
      tpu.vector_store %arg6[%swap3A_116, %swap3A_117], %div3A_115 {strides = array<i32>} : memref<128x128xf32, #tpu.memory_space<vmem>>, vector<128x128xf32>,
    } else {
    }
    %get3A = arith.constant 0 : index
    %get3A_2 = arith.constant 0 : index
    %get3A_3 = vector.load %arg1[%get3A, %get3A_2] : memref<2528x128xf32, #tpu.memory_space<vmem>>, vector<2528x128xf32>
    %get3A_4 = arith.constant 0 : index
    %get3A_5 = arith.constant 0 : index
    %get3A_6 = vector.load %arg6[%get3A_4, %get3A_5] : memref<128x128xf32, #tpu.memory_space<vmem>>, vector<128x128xf32>
    %dot_general3A = arith.constant dense<0.000000e+00> : vector<2528x128xf32>
    %dot_general3A_7 = tpu.matmul %get3A_3, %get3A_6, %dot_general3A {dimension_numbers = #tpu.dot_dimension_numbers<[1], [0], [0], [1], [0, 0, 1, 1], [], []>, transpose_lhs_hint = false} : vector<2528x128xf32>, vector<128x128xf32>, vector<2528x128xf32> -> vector<2528x128xf32>
    %get3A_8 = arith.constant 0 : index
    %get3A_9 = arith.constant 0 : index
    %get3A_10 = vector.load %arg4[%get3A_8, %get3A_9] : memref<2528x2xf32, #tpu.memory_space<vmem>>, vector<2528x1xf32>
    %get3A_11 = vector.shape_cast %get3A_10 : vector<2528x1xf32> to vector<2528xf32>
    %get3A_12 = arith.constant 0 : index
    %get3A_13 = arith.constant 1 : index
    %get3A_14 = vector.load %arg4[%get3A_12, %get3A_13] : memref<2528x2xf32, #tpu.memory_space<vmem>>, vector<2528x1xf32>
    %get3A_15 = vector.shape_cast %get3A_14 : vector<2528x1xf32> to vector<2528xf32>
    %add3A = arith.addf %get3A_11, %get3A_15 : vector<2528xf32>
    %add3A_16 = arith.constant 1.000000e+00 : f32
    %add3A_17 = vector.broadcast %add3A_16 : f32 to vector<2528xf32>
    %add3A_18 = arith.addf %add3A, %add3A_17 : vector<2528xf32>
    %rsqrt3A = math.rsqrt %add3A_18 : vector<2528xf32>
    %broadcast_in_dim3A = vector.shape_cast %rsqrt3A : vector<2528xf32> to vector<2528x1xf32>
    %mul3A = vector.broadcast %broadcast_in_dim3A : vector<2528x1xf32> to vector<2528x128xf32>
    %mul3A_19 = arith.mulf %dot_general3A_7, %mul3A : vector<2528x128xf32>
    %swap3A = arith.constant 0 : index
    %swap3A_20 = arith.constant 0 : index
    %swap3A_21 = vector.load %arg5[%swap3A, %swap3A_20] : memref<2528x128xf32, #tpu.memory_space<vmem>>, vector<2528x128xf32>
    tpu.vector_store %arg5[%swap3A, %swap3A_20], %mul3A_19 {strides = array<i32>} : memref<2528x128xf32, #tpu.memory_space<vmem>>, vector<2528x128xf32>,
    return
  }
  func.func @transform_0(%arg0: i32) -> (i32, i32) {
    %c0_i32 = arith.constant 0 : i32
    %c0_i32_0 = arith.constant 0 : i32
    return %arg0, %c0_i32 : i32, i32
  }
  func.func @transform_1(%arg0: i32) -> (i32, i32) {
    %c0_i32 = arith.constant 0 : i32
    %c0_i32_0 = arith.constant 0 : i32
    %c0_i32_1 = arith.constant 0 : i32
    return %c0_i32, %c0_i32_0 : i32, i32
  }
  func.func @transform_2(%arg0: i32) -> (i32, i32) {
    %c0_i32 = arith.constant 0 : i32
    %c0_i32_0 = arith.constant 0 : i32
    %c0_i32_1 = arith.constant 0 : i32
    return %c0_i32, %c0_i32_0 : i32, i32
  }
  func.func @transform_3(%arg0: i32) -> (i32, i32) {
    %c0_i32 = arith.constant 0 : i32
    %c0_i32_0 = arith.constant 0 : i32
    return %arg0, %c0_i32 : i32, i32
  }
  func.func @transform_4(%arg0: i32) -> (i32, i32) {
    %c0_i32 = arith.constant 0 : i32
    %c0_i32_0 = arith.constant 0 : i32
    return %arg0, %c0_i32 : i32, i32
  }
}

module attributes {stable_mosaic.version = 14 : i64} {
  func.func @_fin_body(%arg0: i32, %arg1: memref<2x2000x128xf32, #tpu.memory_space<vmem>>, %arg2: memref<2000x128xf32, #tpu.memory_space<vmem>>, %arg3: memref<2000x2xf32, #tpu.memory_space<vmem>>, %arg4: memref<1x128xf32, #tpu.memory_space<vmem>>, %arg5: memref<2000x128xf32, #tpu.memory_space<vmem>>) attributes {dimension_semantics = [#tpu.dimension_semantics<arbitrary>], iteration_bounds = array<i64: 5>, scalar_prefetch = 0 : i64, scratch_operands = 0 : i64, tpu.core_type = #tpu.core_type<tc>, window_params = [{transform_indices = @transform_0, window_bounds = array<i64: 2, 2000, 128>}, {transform_indices = @transform_1, window_bounds = array<i64: 2000, 128>}, {transform_indices = @transform_2, window_bounds = array<i64: 2000, 2>}, {pipeline_mode = #tpu.pipeline_mode<synchronous>, transform_indices = @transform_3, window_bounds = array<i64: 1, 128>}, {transform_indices = @transform_4, window_bounds = array<i64: 2000, 128>}]} {
    %get3A = arith.constant 0 : index
    %get3A_0 = arith.constant 0 : index
    %get3A_1 = vector.load %arg3[%get3A, %get3A_0] : memref<2000x2xf32, #tpu.memory_space<vmem>>, vector<2000x1xf32>
    %get3A_2 = vector.shape_cast %get3A_1 : vector<2000x1xf32> to vector<2000xf32>
    %get3A_3 = arith.constant 0 : index
    %get3A_4 = arith.constant 1 : index
    %get3A_5 = vector.load %arg3[%get3A_3, %get3A_4] : memref<2000x2xf32, #tpu.memory_space<vmem>>, vector<2000x1xf32>
    %get3A_6 = vector.shape_cast %get3A_5 : vector<2000x1xf32> to vector<2000xf32>
    %add3A = arith.addf %get3A_2, %get3A_6 : vector<2000xf32>
    %add3A_7 = arith.constant 1.000000e+00 : f32
    %add3A_8 = vector.broadcast %add3A_7 : f32 to vector<2000xf32>
    %add3A_9 = arith.addf %add3A, %add3A_8 : vector<2000xf32>
    %rsqrt3A = math.rsqrt %add3A_9 : vector<2000xf32>
    %broadcast_in_dim3A = vector.shape_cast %rsqrt3A : vector<2000xf32> to vector<2000x1xf32>
    %get3A_10 = arith.constant 0 : index
    %get3A_11 = arith.constant 0 : index
    %get3A_12 = arith.constant 0 : index
    %get3A_13 = vector.load %arg1[%get3A_10, %get3A_11, %get3A_12] : memref<2x2000x128xf32, #tpu.memory_space<vmem>>, vector<1x2000x128xf32>
    %get3A_14 = vector.shape_cast %get3A_13 : vector<1x2000x128xf32> to vector<2000x128xf32>
    %get3A_15 = arith.constant 1 : index
    %get3A_16 = arith.constant 0 : index
    %get3A_17 = arith.constant 0 : index
    %get3A_18 = vector.load %arg1[%get3A_15, %get3A_16, %get3A_17] : memref<2x2000x128xf32, #tpu.memory_space<vmem>>, vector<1x2000x128xf32>
    %get3A_19 = vector.shape_cast %get3A_18 : vector<1x2000x128xf32> to vector<2000x128xf32>
    %add3A_20 = arith.addf %get3A_14, %get3A_19 : vector<2000x128xf32>
    %get3A_21 = arith.constant 0 : index
    %get3A_22 = arith.constant 0 : index
    %get3A_23 = vector.load %arg2[%get3A_21, %get3A_22] : memref<2000x128xf32, #tpu.memory_space<vmem>>, vector<2000x128xf32>
    %add3A_24 = arith.addf %add3A_20, %get3A_23 : vector<2000x128xf32>
    %mul3A = vector.broadcast %broadcast_in_dim3A : vector<2000x1xf32> to vector<2000x128xf32>
    %mul3A_25 = arith.mulf %add3A_24, %mul3A : vector<2000x128xf32>
    %get3A_26 = arith.constant 0 : index
    %get3A_27 = arith.constant 0 : index
    %get3A_28 = vector.load %arg4[%get3A_26, %get3A_27] : memref<1x128xf32, #tpu.memory_space<vmem>>, vector<1x128xf32>
    %add3A_29 = vector.broadcast %get3A_28 : vector<1x128xf32> to vector<2000x128xf32>
    %add3A_30 = arith.addf %mul3A_25, %add3A_29 : vector<2000x128xf32>
    %swap3A = arith.constant 0 : index
    %swap3A_31 = arith.constant 0 : index
    %swap3A_32 = vector.load %arg5[%swap3A, %swap3A_31] : memref<2000x128xf32, #tpu.memory_space<vmem>>, vector<2000x128xf32>
    tpu.vector_store %arg5[%swap3A, %swap3A_31], %add3A_30 {strides = array<i32>} : memref<2000x128xf32, #tpu.memory_space<vmem>>, vector<2000x128xf32>,
    return
  }
  func.func @transform_0(%arg0: i32) -> (i32, i32, i32) {
    %c0_i32 = arith.constant 0 : i32
    %c0_i32_0 = arith.constant 0 : i32
    %c0_i32_1 = arith.constant 0 : i32
    return %c0_i32, %arg0, %c0_i32_0 : i32, i32, i32
  }
  func.func @transform_1(%arg0: i32) -> (i32, i32) {
    %c0_i32 = arith.constant 0 : i32
    %c0_i32_0 = arith.constant 0 : i32
    return %arg0, %c0_i32 : i32, i32
  }
  func.func @transform_2(%arg0: i32) -> (i32, i32) {
    %c0_i32 = arith.constant 0 : i32
    %c0_i32_0 = arith.constant 0 : i32
    return %arg0, %c0_i32 : i32, i32
  }
  func.func @transform_3(%arg0: i32) -> (i32, i32) {
    %c0_i32 = arith.constant 0 : i32
    %c0_i32_0 = arith.constant 0 : i32
    %c0_i32_1 = arith.constant 0 : i32
    return %c0_i32, %c0_i32_0 : i32, i32
  }
  func.func @transform_4(%arg0: i32) -> (i32, i32) {
    %c0_i32 = arith.constant 0 : i32
    %c0_i32_0 = arith.constant 0 : i32
    return %arg0, %c0_i32 : i32, i32
  }
}

</mosaic_0001>

<sc_bundles>
// kernel: kernel.6.cloned.1.call-start
scs
__scs_entry_jumppad:
0x0: {  	(pc) =	sbr.rel $0x88, $3  }
0x1: {  	(tag) =	ssettag $0x0;
	lr =	simm.s32 $0x1  }
0x2: {  	[smem:$0x3F9C] =	sst lr;
	_ =	strace $0xD0000000  }
0x3: {  	_ = 	snop  }
0x4: {  	_ = 	snop  }
0x5: {  	_ = 	snop  }
0x6: {  	_ = 	snop  }
0x7: {  	_ = 	snop  }
__scs_overlays_trampoline_lowered:
0x8: {  	[smem:$0x3FAB] =	sst s0  }
0x9: {  	[smem:$0x3FAC] =	sst s1  }
0xa: {  	[smem:$0x3FAD] =	sst s2  }
0xb: {  	[smem:$0x3FAE] =	sst s3  }
0xc: {  	[smem:$0x3FAF] =	sst s4  }
0xd: {  	[smem:$0x3FB0] =	sst s5  }
0xe: {  	[smem:$0x3FB1] =	sst s6  }
0xf: {  	[smem:$0x3FB2] =	sst s7  }
0x10: {  	[smem:$0x3FB3] =	sst s8  }
0x11: {  	[smem:$0x3FB4] =	sst s9;
	s0 =	simm.s32 @!p0 $0x0  }
0x12: {  	s1 =	sld [smem:$0x3F9A];
	s0 =	simm.s32 @p0 $0x1  }
0x13: {  	[smem:$0x3FB5] =	sst s0;
	s0 =	simm.s32 @!p1 $0x0  }
0x14: {  	s2 =	sld [smem:$0x3F99];
	s0 =	simm.s32 @p1 $0x1  }
0x15: {  	[smem:$0x3FB6] =	sst s0;
	s0 =	simm.s32 @!p2 $0x0  }
0x16: {  	s3 =	sld [smem:$0x3FDB];
	s0 =	simm.s32 @p2 $0x1  }
0x17: {  	s4 =	simm.s32 $0x1BF5;
	[smem:$0x3FB8] =	sst s0  }
0x18: {  	s0 =	sld [smem:$0x3F9B];
	_ =	swait.ge [sflag:s4], $0x0  }
0x19: {  	s7 =	sld [smem:$0x3F9C]  }
0x1a: {  	s8 =	sadd.s32 $0xFFFFE003, lr  }
0x1b: {  	s9 =	sadd.s32 $0xFFFFFEF7, lr;
	s5 =	simm.s32 $0xFFFFFFFF;
	p2 =	slt.u32 s8, $0xFFFFF086  }
0x1c: {  	p1 =	slt.u32 s9, $0xF7A;
	s5 =	simm.s32 @!p2 $0x0  }
0x1d: {  	s5 =	simm.s32 @p1 $0x1;
	p0 =	seq.s32 s7, s2  }
0x1e: {  	s7 =	smul.u32 @!p0 $0xF7A, s2;
	p2 =	seq.s32 @!p0 s5, $0x0  }
0x1f: {  	s9 =	smul.u32 $0xF7A, s1;
	s8 =	simm.s32 @!p0 $0x1BF5;
	p2 =	por !p2, p0  }
0x20: {  	[sflag:s8] =	ssyncset.s32 @!p0 $0xFFFFF086;
	s6 =	sadd.s32 @!p0 s3, s7;
	s7 =	simm.s32 @!p0 $0x108  }
0x21: {  	s3 =	sadd.s32 s3, s9;
	s6 =	sadd.s32 @!p0 $0x88, s6;
	s7 =	simm.s32 @p2 $0x1082  }
0x22: {  	[simem:s7], [sflag:s8] =	dma.local @!p0 [hbm:s6], $0xF7A  }
0x23: {  	s9 =	sor.u32 $0xD0000000, s2;
	s6 =	simm.s32 $0x108;
	_ =	swait.ge @!p0 [sflag:s8], $0x0  }
0x24: {  	s3 =	sadd.s32 $0x88, s3;
	s6 =	simm.s32 @!p1 $0x1082;
	[sflag:s4] =	ssyncset.s32 $0xFFFFF086  }
0x25: {  	[simem:s6], [sflag:s4] =	dma.local [hbm:s3], $0xF7A  }
0x26: {  	[smem:$0x3F9C] =	sst s1;
	(tag) =	ssettag s2;
	_ =	strace s9  }
0x27: {  	s1 =	sld [smem:$0x3FAC]  }
0x28: {  	s2 =	sld [smem:$0x3FAD]  }
0x29: {  	s4 =	sld [smem:$0x3FAF]  }
0x2a: {  	p0 =	seq.s32 s5, $0x0;
	s5 =	sld [smem:$0x3FB0]  }
0x2b: {  	s6 =	sld [smem:$0x3FB1]  }
0x2c: {  	s7 =	sld [smem:$0x3FB2]  }
0x2d: {  	s3 =	simm.s32 $0x108;
	s8 =	sld [smem:$0x3FB3]  }
0x2e: {  	s3 =	simm.s32 @!p0 $0x1082;
	s9 =	sld [smem:$0x3FB4]  }
0x2f: {  	lr =	sadd.s32 s0, s3;
	s0 =	sld [smem:$0x3FAB]  }
0x30: {  	s3 =	sld [smem:$0x3FAE]  }
0x31: {  	[smem:$0x3FB7] =	sst s10  }
0x32: {  	s10 =	sld [smem:$0x3FB5];
	_ =	sdelay $0x3  }
0x33: {  	p0 =	seq.s32 s10, $0x1;
	s10 =	sld [smem:$0x3FB7];
	_ =	sdelay $0x3  }
0x34: {  	[smem:$0x3FB7] =	sst s10  }
0x35: {  	s10 =	sld [smem:$0x3FB6];
	_ =	sdelay $0x3  }
0x36: {  	p1 =	seq.s32 s10, $0x1;
	s10 =	sld [smem:$0x3FB7];
	_ =	sdelay $0x3  }
0x37: {  	[smem:$0x3FB7] =	sst s10  }
0x38: {  	s10 =	sld [smem:$0x3FB8]  }
0x39: {  	_ = 	snop;
	(pc) =	sbr.ind lr, $3  }
0x3a: {  	_ = 	snop  }
0x3b: {  	_ = 	snop  }
0x3c: {  	p2 =	seq.s32 s10, $0x1;
	s10 =	sld [smem:$0x3FB7]  }
0x3d: {  	_ =	shalt  }
0x3e: {  	_ =	shalt  }
0x3f: {  	_ =	shalt  }
0x40: {  	_ =	shalt  }
0x41: {  	_ =	shalt  }
0x42: {  	_ =	shalt  }
0x43: {  	_ =	shalt  }
0x44: {  	_ =	shalt  }
0x45: {  	_ =	shalt  }
0x46: {  	_ =	shalt  }
0x47: {  	_ =	shalt  }
0x48: {  	_ =	shalt  }
0x49: {  	_ =	shalt  }
0x4a: {  	_ =	shalt  }
0x4b: {  	_ =	shalt  }
0x4c: {  	_ =	shalt  }
0x4d: {  	_ =	shalt  }
0x4e: {  	_ =	shalt  }
0x4f: {  	_ =	shalt  }
0x50: {  	_ =	shalt  }
0x51: {  	_ =	shalt  }
0x52: {  	_ =	shalt  }
0x53: {  	_ =	shalt  }
0x54: {  	_ =	shalt  }
0x55: {  	_ =	shalt  }
0x56: {  	_ =	shalt  }
0x57: {  	_ =	shalt  }
0x58: {  	_ =	shalt  }
0x59: {  	_ =	shalt  }
0x5a: {  	_ =	shalt  }
0x5b: {  	_ =	shalt  }
0x5c: {  	_ =	shalt  }
0x5d: {  	_ =	shalt  }
0x5e: {  	_ =	shalt  }
0x5f: {  	_ =	shalt  }
0x60: {  	_ =	shalt  }
0x61: {  	_ =	shalt  }
0x62: {  	_ =	shalt  }
0x63: {  	_ =	shalt  }
0x64: {  	_ =	shalt  }
0x65: {  	_ =	shalt  }
0x66: {  	_ =	shalt  }
0x67: {  	_ =	shalt  }
0x68: {  	_ =	shalt  }
0x69: {  	_ =	shalt  }
0x6a: {  	_ =	shalt  }
0x6b: {  	_ =	shalt  }
0x6c: {  	_ =	shalt  }
0x6d: {  	_ =	shalt  }
0x6e: {  	_ =	shalt  }
0x6f: {  	_ =	shalt  }
0x70: {  	_ =	shalt  }
0x71: {  	_ =	shalt  }
0x72: {  	_ =	shalt  }
0x73: {  	_ =	shalt  }
0x74: {  	_ =	shalt  }
0x75: {  	_ =	shalt  }
0x76: {  	_ =	shalt  }
0x77: {  	_ =	shalt  }
0x78: {  	_ =	shalt  }
0x79: {  	_ =	shalt  }
0x7a: {  	_ =	shalt  }
0x7b: {  	_ =	shalt  }
0x7c: {  	_ =	shalt  }
0x7d: {  	_ =	shalt  }
0x7e: {  	_ =	shalt  }
0x7f: {  	_ =	shalt  }
0x80: {  	_ =	shalt  }
0x81: {  	_ =	shalt  }
0x82: {  	_ =	shalt  }
0x83: {  	_ =	shalt  }
0x84: {  	_ =	shalt  }
0x85: {  	_ =	shalt  }
0x86: {  	_ =	shalt  }
0x87: {  	_ =	shalt  }
.Lfunc_end0:
.L_simem_size_0:
called_computation_lowered:
.L_overlay_start_0:
0x88: {  	s2 =	sld [smem:$0x3FD9]  }
0x89: {  	s3 =	sld [smem:$0x3FFE];
	_ =	sdelay $0x1  }
0x8a: {  	s1 =	srdreg.scid  }
0x8b: {  	s0 =	sand.u32 $0x1, s1  }
0x8c: {  	s17 =	sshll.u32 s0, $0xA;
	s2 =	sadd.s32 s3, s2  }
0x8d: {  	s2 =	sadd.s32 s2, s17  }
0x8e: {  	[smem:$0x3FC3] =	sst s2  }
0x8f: {  	_ = 	snop  }
0x90: {  	s2 =	sld [smem:$0x3FD0];
	(tm) =	ssettm $0x1  }
0x91: {  	s18 =	sld [smem:$0x3FFB];
	_ =	sdelay $0x3  }
0x92: {  	_ =	strace s18  }
0x93: {  	s3 =	sld [smem:$0x3FFC];
	_ =	sdelay $0x3  }
0x94: {  	_ =	strace s3  }
0x95: {  	s3 =	sld [smem:$0x3FFD];
	_ =	sdelay $0x3  }
0x96: {  	_ =	strace s3  }
0x97: {  	_ =	strace $0x8FFFFFFF  }
0x98: {  	s19 =	sld [smem:$0x3FDB];
	_ =	sdelay $0x1  }
0x99: {  	s4 =	simm.s32 $_scs_section_size  }
0x9a: {  	s5 =	simm.s32 $_size__tile_overlayer_lowered;
	s6 =	simm.s32 $_tile_overlayer_lowered  }
0x9b: {  	s22 =	simm.s32 $0x1BFF;
	s21 =	sshll.u32 s6, $0x1;
	s3 =	sadd.s32 s4, s19  }
0x9c: {  	s7 =	simm.s32 $0x0;
	s20 =	sshll.u32 s5, $0x1;
	s5 =	sadd.s32 s21, s3  }
0x9d: {  	[timem:s7], [sflag:s22] =	dma.local [hbm:s5], s20  }
0x9e: {  	_ =	swait.ge [sflag:s22], s20  }
0x9f: {  	s4 =	ssub.s32 $0x0, s20;
	[sflag:s22] =	ssyncset.done $0x0  }
0xa0: {  	[sflag:s22] =	ssyncadd.s32 s4;
	_ =	sdelay $0x1  }
0xa1: {  	s23 =	simm.s32 $0x1B8B  }
0xa2: {  	_ =	swait.ge [sflag:s23], $0x1  }
0xa3: {  	[sflag:s23] =	ssyncset.done $0x0  }
0xa4: {  	s25 =	simm.s32 $0x1B8E;
	s24 =	sld [smem:$0x3FFE];
	[sflag:s23] =	ssyncadd.s32 $0xFFFFFFFF  }
0xa5: {  	s26 =	simm.s32 $execute0_lowered;
	[smem:$0x3FD2] =	sst s25  }
0xa6: {  	s5 =	sshll.u32 s26, $0x1;
	_ =	strace $0x80000046;
	[dreg:$0x1] =	wrdreg $0xFFFFFFFF  }
0xa7: {  	s28 =	simm.s32 $_size_execute0_lowered;
	s3 =	sadd.s32 s3, s5;
	[dreg:$0x0] =	wrdreg $0x0  }
0xa8: {  	s5 =	sshll.u32 s28, $0x1;
	[dreg:$0x2] =	wrdreg s3  }
0xa9: {  	[dreg:$0x3] =	wrdreg s5  }
0xaa: {  	[dreg:$0x4] =	wrdreg $0xC0  }
0xab: {  	_ =	task [dreg:s7], $0x5FFFF  }
0xac: {  	[dreg:$0x1] =	wrdreg $0xFFFFFFFF  }
0xad: {  	[dreg:$0x0] =	wrdreg $0x60  }
0xae: {  	[dreg:$0x2] =	wrdreg s2  }
0xaf: {  	[dreg:$0x3] =	wrdreg s24  }
0xb0: {  	[dreg:$0x4] =	wrdreg $0x0  }
0xb1: {  	[dreg:$0x5] =	wrdreg $0x9  }
0xb2: {  	_ =	task.clear_ibuf [dreg:s7], $0x6FFFF;
	_ =	strace $0x90000046  }
0xb3: {  	s29 =	simm.s32 $0x9;
	_ =	strace $0x80000048  }
0xb4: {  	_ =	swait.ge [sflag:s29], $0x1  }
0xb5: {  	[sflag:s29] =	ssyncadd.s32 $0xFFFFFFFF  }
0xb6: {  	_ =	strace $0x90000048  }
0xb7: {  	_ =	sfence  }
0xb8: {  	s30 =	sld [smem:$0x0];
	_ =	sdelay $0x2  }
0xb9: {  	s31 =	sshll.u32 s1, $0xD;
	s1 =	sshrl.u32 s1, $0x2  }
0xba: {  	s3 =	sand.u32 $0x4000, s31;
	s1 =	sadd.s32 s1, s30  }
0xbb: {  	s0 =	sor.u32 s3, s0;
	s1 =	sshll.u32 s1, $0x11  }
0xbc: {  	s0 =	sor.u32 s1, s0  }
0xbd: {  	s0 =	sadd.s32 $0x8F2B, s0  }
0xbe: {  	[sflag:s0] =	ssyncadd.remote.s32 $0x1  }
0xbf: {  	_ =	sfence.sel $0xFFFF  }
0xc0: {  	[dreg:$0x0] =	wrdreg $0xFFFFFFFF;
	(pc) =	sbr.abs _section_cstart, $3  }
0xc1: {  	[dreg:$0x1] =	wrdreg $0xFFFFFFFF  }
0xc2: {  	_ =	task.clear_ibuf [dreg:s7], $0x2FFFF;
	_ =	strace $0x9FFFFFFF  }
0xc3: {  	(tm) =	ssettm $0x7FFFFFFF  }
tec
execute0_lowered:
.L_overlay_start_1:
0x0: {  	(tag) =	ssettag $0x1  }
0x1: {  	s6 =	rddreg [dreg:$0x0]  }
0x2: {  	s4 =	rddreg [dreg:$0x1]  }
0x3: {  	s2 =	rddreg [dreg:$0x2]  }
0x4: {  	s0 =	rddreg [dreg:$0x3];
	s1 =	stileid.u32  }
0x5: {  	s5 =	srdreg.scid;
	s3 =	simm.s32 $0x0;
	s12 =	simm.s32 $0x80  }
0x6: {  	s13 =	simm.s32 $0x2A78;
	s14 =	simm.s32 $0x1;
	s15 =	simm.s32 $0x0  }
0x7: {  	s7 =	smul.u32 $0x278, s1;
	s5 =	sand.u32 $0x1, s5;
	[smem:$0x7FF] =	sst s3  }
0x8: {  	s8 =	smul.u32 $0x2780, s5;
	_ =	strace $0x80000047;
	s10 =	sshll.u32 s5, $0x4  }
0x9: {  	s5 =	ssub.s32 $0x2, s5;
	s9 =	sshrl.u32 s7, $0x3;
	s10 =	sor.u32 s1, s10  }
0xa: {  	s11 =	sshrl.u32 s5, $0x1;
	s8 =	sadd.s32 s7, s8;
	s10 =	smul.u32 $0x500, s10  }
0xb: {  	s9 =	sadd.s32 s9, s4;
	s11 =	ssub.s32 s5, s11;
	s8 =	sshrl.u32 s8, $0x3  }
0xc: {  	s5 =	sadd.s32 s7, s2;
	s8 =	sadd.s32 s8, s4;
	s4 =	sadd.s32 $0xBC00, s9  }
0xd: {  	s6 =	sadd.s32 s6, s10;
	s9 =	simm.s32 $0x2AF8;
	s10 =	simm.s32 $0x2  }
0xe: {  	v0 =	vimm.f32 $1.000000000e+00;
	s7 =	sadd.s32 $0xC200, s8;
	s8 =	smax.u32 s11, $0x1;
	s11 =	simm.s32 $0x278  }
.LBB2_1:
0xf: {  	[tilespmem:s9], [sflag:$0x2] =	stream.linear.gather [hbm4b:s4+s3], $0x278, $0x38;
	[tilespmem:$0x2D78] =	vst v63  }
0x10: {  	_ =	swait.ge [sflag:s10], $0x278  }
0x11: {  	[sflag:s10] =	ssyncset.done $0x0  }
0x12: {  	[sflag:s10] =	ssyncadd.s32 $0xFFFFFD88  }
0x13: {  	[spmem:s5] =	stream.linear.scatter [tilespmem:s9], [sflag:$0x2], $0x278, $0x38;
	[tilespmem:$0x2D78] =	vst v63  }
0x14: {  	_ =	swait.ge [sflag:s10], $0x278  }
0x15: {  	[sflag:s10] =	ssyncset.done $0x0  }
0x16: {  	[sflag:s10] =	ssyncadd.s32 $0xFFFFFD88  }
0x17: {  	[tilespmem:s11], [sflag:$0x2] =	stream.linear.gather [hbm4b:s6+s3], $0x2800, $0x38;
	[tilespmem:$0x2D78] =	vst v63  }
0x18: {  	_ =	swait.ge [sflag:s10], $0x2800  }
0x19: {  	[sflag:s10] =	ssyncset.done $0x0  }
0x1a: {  	[sflag:s10] =	ssyncadd.s32 $0xFFFFD800  }
0x1b: {  	[tilespmem:$0x2A78] =	vst v0  }
0x1c: {  	[tilespmem:$0x2A88] =	vst v0  }
0x1d: {  	[tilespmem:$0x2A98] =	vst v0  }
0x1e: {  	[tilespmem:$0x2AA8] =	vst v0  }
0x1f: {  	[tilespmem:$0x2AB8] =	vst v0  }
0x20: {  	[tilespmem:$0x2AC8] =	vst v0  }
0x21: {  	[tilespmem:$0x2AD8] =	vst v0  }
0x22: {  	[tilespmem:$0x2AE8] =	vst v0  }
0x23: {  	s16 =	simm.s32 $0x200;
	s17 =	simm.s32 $0x278;
	[bflag:$0x0] =	sbarrier.arrive $0xFFFF  }
.LBB2_2:
0x24: {  	[spmem:s2] =	stream.indirect.scatter.add.f32 [tilespmem:s13], [sflag:$0x1], $0x1, s17, s12, $0xb8;
	[tilespmem:$0x2D78] =	vst v63  }
0x25: {  	s17 =	smov.u32 s16;
	p0 =	sne.s32 s16, $0x9E00  }
.Ltmp0:
0x26: {  	s16 =	sadd.s32 $0x200, s16;
	(pc) =	sbr.rel @p0 .LBB2_2-.Ltmp0, $3  }
0x27: {  	_ =	sdelay $0x1  }
0x28: {  	s17 =	sshra.s32 s17, $0x2  }
0x29: {  	s17 =	sadd.s32 $0x278, s17  }
0x2a: {  	[spmem:s2] =	stream.indirect.scatter.add.f32 [tilespmem:s13], [sflag:$0x1], $0x1, s17, s12, $0xb8;
	[tilespmem:$0x2D78] =	vst v63  }
0x2b: {  	_ =	swait.ge [sflag:s14], $0x2800  }
0x2c: {  	[sflag:s14] =	ssyncset.done $0x0  }
0x2d: {  	[sflag:s14] =	ssyncadd.s32 $0xFFFFD800  }
0x2e: {  	[bflag:$0x0] =	sbarrier.arrive $0xFFFF  }
0x2f: {  	[tilespmem:s9], [sflag:$0x2] =	stream.linear.gather [spmem:s5], $0x278, $0x38;
	[tilespmem:$0x2D78] =	vst v63  }
0x30: {  	s15 =	sadd.s32 $0x1, s15;
	_ =	swait.ge [sflag:s10], $0x278  }
0x31: {  	p0 =	sne.s32 s15, s8;
	[sflag:s10] =	ssyncset.done $0x0  }
.Ltmp1:
0x32: {  	[sflag:s10] =	ssyncadd.s32 $0xFFFFFD88;
	(pc) =	sbr.rel @p0 .LBB2_1-.Ltmp1, $4  }
0x33: {  	[hbm4b:s7+s3] =	stream.linear.scatter [tilespmem:s9], [sflag:$0x2], $0x278, $0x38;
	[tilespmem:$0x2D78] =	vst v63  }
0x34: {  	_ =	swait.ge [sflag:s10], $0x278  }
0x35: {  	[sflag:s10] =	ssyncset.done $0x0  }
0x36: {  	[sflag:s10] =	ssyncadd.s32 $0xFFFFFD88  }
0x37: {  	_ =	sfence.sel $0x180000  }
0x38: {  	[bflag:$0x0] =	sbarrier.arrive $0xFFFF  }
0x39: {  	p0 =	sne.s32 s1, $0x0;
	_ =	strace $0x90000047  }
0x3a: {  	s0 =	sadd.s32 @!p0 $0x100000, s0;
	[bflag:$0x2] =	sbarrier.arrive $0xFFFF  }
0x3b: {  	[sflag:s0] =	ssyncadd.tile.s32 @!p0 $0x1;
	_ =	shalt  }
.Lfunc_end2:
_tile_overlayer_lowered:
.L_overlay_start_2:
0x3c: {  	(tag) =	ssettag $0x2  }
0x3d: {  	s0 =	rddreg [dreg:$0x0];
	s2 =	stileid.u32  }
0x3e: {  	s1 =	rddreg [dreg:$0x1];
	p0 =	sne.s32 s2, $0x0  }
0x3f: {  	s3 =	rddreg [dreg:$0x2];
	[bflag:$0x3] =	sbarrier.arrive $0xFFFF;
	s2 =	simm.s32 @!p0 $0x1C02  }
0x40: {  	[timem:s3], [sflag:s2] =	dma.local @!p0 [hbm:s0], s1  }
0x41: {  	s0 =	simm.s32 @!p0 $0x2  }
0x42: {  	_ =	swait.ge @!p0 [sflag:s0], s1  }
0x43: {  	s1 =	ssub.s32 @!p0 $0x0, s1;
	[sflag:s0] =	ssyncset.done @!p0 $0x0  }
0x44: {  	[sflag:s0] =	ssyncadd.s32 @!p0 s1  }
0x45: {  	[bflag:$0x3] =	sbarrier.arrive $0xFFFF  }
0x46: {  	_ =	shalt  }

// kernel: kernel.9.cloned.1.call-start
scs
__scs_entry_jumppad:
0x0: {  	(pc) =	sbr.rel $0x88, $3  }
0x1: {  	(tag) =	ssettag $0x0;
	lr =	simm.s32 $0x1  }
0x2: {  	[smem:$0x3F9C] =	sst lr;
	_ =	strace $0xD0000000  }
0x3: {  	_ = 	snop  }
0x4: {  	_ = 	snop  }
0x5: {  	_ = 	snop  }
0x6: {  	_ = 	snop  }
0x7: {  	_ = 	snop  }
__scs_overlays_trampoline_lowered:
0x8: {  	[smem:$0x3FAB] =	sst s0  }
0x9: {  	[smem:$0x3FAC] =	sst s1  }
0xa: {  	[smem:$0x3FAD] =	sst s2  }
0xb: {  	[smem:$0x3FAE] =	sst s3  }
0xc: {  	[smem:$0x3FAF] =	sst s4  }
0xd: {  	[smem:$0x3FB0] =	sst s5  }
0xe: {  	[smem:$0x3FB1] =	sst s6  }
0xf: {  	[smem:$0x3FB2] =	sst s7  }
0x10: {  	[smem:$0x3FB3] =	sst s8  }
0x11: {  	[smem:$0x3FB4] =	sst s9;
	s0 =	simm.s32 @!p0 $0x0  }
0x12: {  	s1 =	sld [smem:$0x3F9A];
	s0 =	simm.s32 @p0 $0x1  }
0x13: {  	[smem:$0x3FB5] =	sst s0;
	s0 =	simm.s32 @!p1 $0x0  }
0x14: {  	s2 =	sld [smem:$0x3F99];
	s0 =	simm.s32 @p1 $0x1  }
0x15: {  	[smem:$0x3FB6] =	sst s0;
	s0 =	simm.s32 @!p2 $0x0  }
0x16: {  	s3 =	sld [smem:$0x3FDB];
	s0 =	simm.s32 @p2 $0x1  }
0x17: {  	s4 =	simm.s32 $0x1BF5;
	[smem:$0x3FB8] =	sst s0  }
0x18: {  	s0 =	sld [smem:$0x3F9B];
	_ =	swait.ge [sflag:s4], $0x0  }
0x19: {  	s7 =	sld [smem:$0x3F9C]  }
0x1a: {  	s8 =	sadd.s32 $0xFFFFE003, lr  }
0x1b: {  	s9 =	sadd.s32 $0xFFFFFEF7, lr;
	s5 =	simm.s32 $0xFFFFFFFF;
	p2 =	slt.u32 s8, $0xFFFFF086  }
0x1c: {  	p1 =	slt.u32 s9, $0xF7A;
	s5 =	simm.s32 @!p2 $0x0  }
0x1d: {  	s5 =	simm.s32 @p1 $0x1;
	p0 =	seq.s32 s7, s2  }
0x1e: {  	s7 =	smul.u32 @!p0 $0xF7A, s2;
	p2 =	seq.s32 @!p0 s5, $0x0  }
0x1f: {  	s9 =	smul.u32 $0xF7A, s1;
	s8 =	simm.s32 @!p0 $0x1BF5;
	p2 =	por !p2, p0  }
0x20: {  	[sflag:s8] =	ssyncset.s32 @!p0 $0xFFFFF086;
	s6 =	sadd.s32 @!p0 s3, s7;
	s7 =	simm.s32 @!p0 $0x108  }
0x21: {  	s3 =	sadd.s32 s3, s9;
	s6 =	sadd.s32 @!p0 $0x88, s6;
	s7 =	simm.s32 @p2 $0x1082  }
0x22: {  	[simem:s7], [sflag:s8] =	dma.local @!p0 [hbm:s6], $0xF7A  }
0x23: {  	s9 =	sor.u32 $0xD0000000, s2;
	s6 =	simm.s32 $0x108;
	_ =	swait.ge @!p0 [sflag:s8], $0x0  }
0x24: {  	s3 =	sadd.s32 $0x88, s3;
	s6 =	simm.s32 @!p1 $0x1082;
	[sflag:s4] =	ssyncset.s32 $0xFFFFF086  }
0x25: {  	[simem:s6], [sflag:s4] =	dma.local [hbm:s3], $0xF7A  }
0x26: {  	[smem:$0x3F9C] =	sst s1;
	(tag) =	ssettag s2;
	_ =	strace s9  }
0x27: {  	s1 =	sld [smem:$0x3FAC]  }
0x28: {  	s2 =	sld [smem:$0x3FAD]  }
0x29: {  	s4 =	sld [smem:$0x3FAF]  }
0x2a: {  	p0 =	seq.s32 s5, $0x0;
	s5 =	sld [smem:$0x3FB0]  }
0x2b: {  	s6 =	sld [smem:$0x3FB1]  }
0x2c: {  	s7 =	sld [smem:$0x3FB2]  }
0x2d: {  	s3 =	simm.s32 $0x108;
	s8 =	sld [smem:$0x3FB3]  }
0x2e: {  	s3 =	simm.s32 @!p0 $0x1082;
	s9 =	sld [smem:$0x3FB4]  }
0x2f: {  	lr =	sadd.s32 s0, s3;
	s0 =	sld [smem:$0x3FAB]  }
0x30: {  	s3 =	sld [smem:$0x3FAE]  }
0x31: {  	[smem:$0x3FB7] =	sst s10  }
0x32: {  	s10 =	sld [smem:$0x3FB5];
	_ =	sdelay $0x3  }
0x33: {  	p0 =	seq.s32 s10, $0x1;
	s10 =	sld [smem:$0x3FB7];
	_ =	sdelay $0x3  }
0x34: {  	[smem:$0x3FB7] =	sst s10  }
0x35: {  	s10 =	sld [smem:$0x3FB6];
	_ =	sdelay $0x3  }
0x36: {  	p1 =	seq.s32 s10, $0x1;
	s10 =	sld [smem:$0x3FB7];
	_ =	sdelay $0x3  }
0x37: {  	[smem:$0x3FB7] =	sst s10  }
0x38: {  	s10 =	sld [smem:$0x3FB8]  }
0x39: {  	_ = 	snop;
	(pc) =	sbr.ind lr, $3  }
0x3a: {  	_ = 	snop  }
0x3b: {  	_ = 	snop  }
0x3c: {  	p2 =	seq.s32 s10, $0x1;
	s10 =	sld [smem:$0x3FB7]  }
0x3d: {  	_ =	shalt  }
0x3e: {  	_ =	shalt  }
0x3f: {  	_ =	shalt  }
0x40: {  	_ =	shalt  }
0x41: {  	_ =	shalt  }
0x42: {  	_ =	shalt  }
0x43: {  	_ =	shalt  }
0x44: {  	_ =	shalt  }
0x45: {  	_ =	shalt  }
0x46: {  	_ =	shalt  }
0x47: {  	_ =	shalt  }
0x48: {  	_ =	shalt  }
0x49: {  	_ =	shalt  }
0x4a: {  	_ =	shalt  }
0x4b: {  	_ =	shalt  }
0x4c: {  	_ =	shalt  }
0x4d: {  	_ =	shalt  }
0x4e: {  	_ =	shalt  }
0x4f: {  	_ =	shalt  }
0x50: {  	_ =	shalt  }
0x51: {  	_ =	shalt  }
0x52: {  	_ =	shalt  }
0x53: {  	_ =	shalt  }
0x54: {  	_ =	shalt  }
0x55: {  	_ =	shalt  }
0x56: {  	_ =	shalt  }
0x57: {  	_ =	shalt  }
0x58: {  	_ =	shalt  }
0x59: {  	_ =	shalt  }
0x5a: {  	_ =	shalt  }
0x5b: {  	_ =	shalt  }
0x5c: {  	_ =	shalt  }
0x5d: {  	_ =	shalt  }
0x5e: {  	_ =	shalt  }
0x5f: {  	_ =	shalt  }
0x60: {  	_ =	shalt  }
0x61: {  	_ =	shalt  }
0x62: {  	_ =	shalt  }
0x63: {  	_ =	shalt  }
0x64: {  	_ =	shalt  }
0x65: {  	_ =	shalt  }
0x66: {  	_ =	shalt  }
0x67: {  	_ =	shalt  }
0x68: {  	_ =	shalt  }
0x69: {  	_ =	shalt  }
0x6a: {  	_ =	shalt  }
0x6b: {  	_ =	shalt  }
0x6c: {  	_ =	shalt  }
0x6d: {  	_ =	shalt  }
0x6e: {  	_ =	shalt  }
0x6f: {  	_ =	shalt  }
0x70: {  	_ =	shalt  }
0x71: {  	_ =	shalt  }
0x72: {  	_ =	shalt  }
0x73: {  	_ =	shalt  }
0x74: {  	_ =	shalt  }
0x75: {  	_ =	shalt  }
0x76: {  	_ =	shalt  }
0x77: {  	_ =	shalt  }
0x78: {  	_ =	shalt  }
0x79: {  	_ =	shalt  }
0x7a: {  	_ =	shalt  }
0x7b: {  	_ =	shalt  }
0x7c: {  	_ =	shalt  }
0x7d: {  	_ =	shalt  }
0x7e: {  	_ =	shalt  }
0x7f: {  	_ =	shalt  }
0x80: {  	_ =	shalt  }
0x81: {  	_ =	shalt  }
0x82: {  	_ =	shalt  }
0x83: {  	_ =	shalt  }
0x84: {  	_ =	shalt  }
0x85: {  	_ =	shalt  }
0x86: {  	_ =	shalt  }
0x87: {  	_ =	shalt  }
.Lfunc_end0:
.L_simem_size_0:
called_computation.1_lowered:
.L_overlay_start_0:
0x88: {  	s2 =	sld [smem:$0x3FD9]  }
0x89: {  	s3 =	sld [smem:$0x3FFE];
	_ =	sdelay $0x1  }
0x8a: {  	s1 =	srdreg.scid  }
0x8b: {  	s0 =	sand.u32 $0x1, s1  }
0x8c: {  	s17 =	sshll.u32 s0, $0xA;
	s2 =	sadd.s32 s3, s2  }
0x8d: {  	s2 =	sadd.s32 s2, s17  }
0x8e: {  	[smem:$0x3FC3] =	sst s2  }
0x8f: {  	_ = 	snop  }
0x90: {  	s2 =	sld [smem:$0x3FD0];
	(tm) =	ssettm $0x1  }
0x91: {  	s18 =	sld [smem:$0x3FFB];
	_ =	sdelay $0x3  }
0x92: {  	_ =	strace s18  }
0x93: {  	s3 =	sld [smem:$0x3FFC];
	_ =	sdelay $0x3  }
0x94: {  	_ =	strace s3  }
0x95: {  	s3 =	sld [smem:$0x3FFD];
	_ =	sdelay $0x3  }
0x96: {  	_ =	strace s3  }
0x97: {  	_ =	strace $0x8FFFFFFF  }
0x98: {  	s19 =	sld [smem:$0x3FDB];
	_ =	sdelay $0x1  }
0x99: {  	s4 =	simm.s32 $_scs_section_size  }
0x9a: {  	s5 =	simm.s32 $_size__tile_overlayer_lowered;
	s6 =	simm.s32 $_tile_overlayer_lowered  }
0x9b: {  	s22 =	simm.s32 $0x1BFF;
	s21 =	sshll.u32 s6, $0x1;
	s3 =	sadd.s32 s4, s19  }
0x9c: {  	s7 =	simm.s32 $0x0;
	s20 =	sshll.u32 s5, $0x1;
	s5 =	sadd.s32 s21, s3  }
0x9d: {  	[timem:s7], [sflag:s22] =	dma.local [hbm:s5], s20  }
0x9e: {  	_ =	swait.ge [sflag:s22], s20  }
0x9f: {  	s4 =	ssub.s32 $0x0, s20;
	[sflag:s22] =	ssyncset.done $0x0  }
0xa0: {  	[sflag:s22] =	ssyncadd.s32 s4;
	_ =	sdelay $0x1  }
0xa1: {  	s23 =	simm.s32 $0x1B8B  }
0xa2: {  	_ =	swait.ge [sflag:s23], $0x1  }
0xa3: {  	[sflag:s23] =	ssyncset.done $0x0  }
0xa4: {  	s25 =	simm.s32 $0x1B8E;
	s24 =	sld [smem:$0x3FFE];
	[sflag:s23] =	ssyncadd.s32 $0xFFFFFFFF  }
0xa5: {  	s26 =	simm.s32 $execute0_lowered;
	[smem:$0x3FD2] =	sst s25  }
0xa6: {  	s5 =	sshll.u32 s26, $0x1;
	_ =	strace $0x80000049;
	[dreg:$0x1] =	wrdreg $0xFFFFFFFF  }
0xa7: {  	s28 =	simm.s32 $_size_execute0_lowered;
	s3 =	sadd.s32 s3, s5;
	[dreg:$0x0] =	wrdreg $0x0  }
0xa8: {  	s5 =	sshll.u32 s28, $0x1;
	[dreg:$0x2] =	wrdreg s3  }
0xa9: {  	[dreg:$0x3] =	wrdreg s5  }
0xaa: {  	[dreg:$0x4] =	wrdreg $0xC0  }
0xab: {  	_ =	task [dreg:s7], $0x5FFFF  }
0xac: {  	[dreg:$0x1] =	wrdreg $0xFFFFFFFF  }
0xad: {  	[dreg:$0x0] =	wrdreg $0x60  }
0xae: {  	[dreg:$0x2] =	wrdreg s24  }
0xaf: {  	[dreg:$0x3] =	wrdreg s2  }
0xb0: {  	[dreg:$0x4] =	wrdreg $0x0  }
0xb1: {  	[dreg:$0x5] =	wrdreg $0x9  }
0xb2: {  	_ =	task.clear_ibuf [dreg:s7], $0x6FFFF;
	_ =	strace $0x90000049  }
0xb3: {  	s29 =	simm.s32 $0x9;
	_ =	strace $0x8000004B  }
0xb4: {  	_ =	swait.ge [sflag:s29], $0x1  }
0xb5: {  	[sflag:s29] =	ssyncadd.s32 $0xFFFFFFFF  }
0xb6: {  	_ =	strace $0x9000004B  }
0xb7: {  	_ =	sfence  }
0xb8: {  	s30 =	sld [smem:$0x0];
	_ =	sdelay $0x2  }
0xb9: {  	s31 =	sshll.u32 s1, $0xD;
	s1 =	sshrl.u32 s1, $0x2  }
0xba: {  	s3 =	sand.u32 $0x4000, s31;
	s1 =	sadd.s32 s1, s30  }
0xbb: {  	s0 =	sor.u32 s3, s0;
	s1 =	sshll.u32 s1, $0x11  }
0xbc: {  	s0 =	sor.u32 s1, s0  }
0xbd: {  	s0 =	sadd.s32 $0x8F2B, s0  }
0xbe: {  	[sflag:s0] =	ssyncadd.remote.s32 $0x1  }
0xbf: {  	_ =	sfence.sel $0xFFFF  }
0xc0: {  	[dreg:$0x0] =	wrdreg $0xFFFFFFFF;
	(pc) =	sbr.abs _section_cstart, $3  }
0xc1: {  	[dreg:$0x1] =	wrdreg $0xFFFFFFFF  }
0xc2: {  	_ =	task.clear_ibuf [dreg:s7], $0x2FFFF;
	_ =	strace $0x9FFFFFFF  }
0xc3: {  	(tm) =	ssettm $0x7FFFFFFF  }
tec
execute0_lowered:
.L_overlay_start_1:
0x0: {  	(tag) =	ssettag $0x1  }
0x1: {  	s0 =	rddreg [dreg:$0x0]  }
0x2: {  	s2 =	rddreg [dreg:$0x1]  }
0x3: {  	s1 =	rddreg [dreg:$0x2];
	s3 =	simm.s32 $0x0;
	s5 =	srdreg.scid  }
0x4: {  	s9 =	stileid.u32;
	s28 =	simm.s32 $0x1A800;
	s29 =	simm.s32 $0x1  }
0x5: {  	s30 =	simm.s32 $0x0;
	[smem:$0x7FF] =	sst s3;
	s4 =	sadd.s32 $0xBC00, s0  }
0x6: {  	s5 =	sand.u32 $0x1, s5;
	s6 =	smul.u32 $0x4F000, s9;
	s11 =	sadd.s32 $0x1C00, s0  }
0x7: {  	s7 =	sadd.s32 $0x33400, s0;
	s14 =	smul.u32 $0x13C00, s9;
	s0 =	sadd.s32 $0x33C00, s0  }
0x8: {  	s9 =	sshll.u32 s9, $0x1;
	_ =	strace $0x8000004A;
	[dreg:$0x4] =	wrdreg s7  }
0x9: {  	s25 =	ssub.s32 $0x2, s5;
	s26 =	sshll.u32 s5, $0x5;
	s5 =	smul.u32 $0x13C000, s5  }
0xa: {  	s8 =	sshrl.u32 s25, $0x1;
	s6 =	sshrl.u32 s6, $0x2;
	s15 =	sadd.s32 $0x4000, s14  }
0xb: {  	s17 =	sadd.s32 $0x8000, s14;
	s10 =	sor.u32 s9, s26;
	s18 =	sadd.s32 $0xC000, s14  }
0xc: {  	s19 =	sadd.s32 $0x10000, s14;
	s20 =	ssub.s32 s25, s8;
	s6 =	sadd.s32 s6, s1  }
0xd: {  	s7 =	sadd.s32 s15, s1;
	s8 =	sadd.s32 s17, s1;
	s12 =	smul.u32 $0x1400, s10  }
0xe: {  	s9 =	sadd.s32 s18, s1;
	s13 =	smul.u32 $0x280, s10;
	s10 =	sadd.s32 s19, s1  }
0xf: {  	s22 =	sadd.s32 s14, s5;
	s15 =	sadd.s32 s5, s15;
	s25 =	sadd.s32 s5, s17  }
0x10: {  	s26 =	sadd.s32 s5, s18;
	s5 =	sadd.s32 s5, s19;
	s23 =	sshrl.u32 s22, $0x3  }
0x11: {  	s24 =	sshrl.u32 s15, $0x3;
	s5 =	sshrl.u32 s5, $0x3;
	s20 =	smax.u32 s20, $0x1  }
0x12: {  	s22 =	simm.s32 $0x3;
	s16 =	sshrl.u32 s12, $0x3;
	s31 =	sadd.s32 s11, s13  }
0x13: {  	s21 =	sadd.s32 s2, s13;
	s15 =	sadd.s32 s0, s23;
	[dreg:$0x5] =	wrdreg s31  }
0x14: {  	s19 =	sadd.s32 s0, s5;
	s23 =	simm.s32 $0x2;
	[dreg:$0x6] =	wrdreg s21  }
0x15: {  	v7 =	vlaneseq.u32;
	s16 =	sadd.s32 $0x280, s16;
	s31 =	sshrl.u32 s26, $0x3;
	s21 =	simm.s32 $0x16800  }
0x16: {  	v0 =	vor.u32 $0x2710, v7;
	v1 =	vadd.s32 $0x271C, v7;
	s26 =	simm.s32 $0x1E800;
	s13 =	sadd.s32 s11, s16;
	s14 =	sadd.s32 s2, s16  }
0x17: {  	v2 =	vadd.s32 $0x2728, v7;
	v3 =	vadd.s32 $0x2734, v7;
	v4 =	vor.u32 $0x2740, v7;
	s16 =	sadd.s32 s0, s24;
	s2 =	sshrl.u32 s25, $0x3;
	s18 =	sadd.s32 s0, s31  }
0x18: {  	v5 =	vadd.s32 $0x274C, v7;
	v6 =	vadd.s32 $0x2758, v7;
	v7 =	vadd.s32 $0x2764, v7;
	s24 =	simm.s32 $0x13C00;
	s25 =	simm.s32 $0x80;
	s17 =	sadd.s32 s0, s2  }
.LBB2_1:
0x19: {  	s0 =	rddreg [dreg:$0x4]  }
0x1a: {  	[tilespmem:s21], [sflag:$0x3] =	stream.linear.gather [hbm4b:s0+s3], $0x4000, $0x38;
	[tilespmem:$0x1E880] =	vst v63  }
0x1b: {  	_ =	swait.ge [sflag:s22], $0x4000  }
0x1c: {  	[sflag:s22] =	ssyncset.done $0x0  }
0x1d: {  	[sflag:s22] =	ssyncadd.s32 $0xFFFFC000  }
0x1e: {  	[spmem:s6] =	stream.linear.scatter [tilespmem:s21], [sflag:$0x2], $0x4000, $0x38;
	[tilespmem:$0x1E880] =	vst v63  }
0x1f: {  	_ = 	snop  }
0x20: {  	[spmem:s7] =	stream.linear.scatter [tilespmem:s21], [sflag:$0x2], $0x4000, $0x38;
	[tilespmem:$0x1E880] =	vst v63  }
0x21: {  	_ = 	snop  }
0x22: {  	[spmem:s8] =	stream.linear.scatter [tilespmem:s21], [sflag:$0x2], $0x4000, $0x38;
	[tilespmem:$0x1E880] =	vst v63  }
0x23: {  	_ = 	snop  }
0x24: {  	[spmem:s9] =	stream.linear.scatter [tilespmem:s21], [sflag:$0x2], $0x4000, $0x38;
	[tilespmem:$0x1E880] =	vst v63  }
0x25: {  	_ = 	snop  }
0x26: {  	[spmem:s10] =	stream.linear.scatter [tilespmem:s21], [sflag:$0x2], $0x3C00, $0x38;
	[tilespmem:$0x1E880] =	vst v63  }
0x27: {  	_ =	swait.ge [sflag:s23], $0x4000  }
0x28: {  	[sflag:s23] =	ssyncset.done $0x0  }
0x29: {  	[sflag:s23] =	ssyncadd.s32 $0xFFFFC000  }
0x2a: {  	_ =	swait.ge [sflag:s23], $0x4000  }
0x2b: {  	[sflag:s23] =	ssyncset.done $0x0  }
0x2c: {  	[sflag:s23] =	ssyncadd.s32 $0xFFFFC000  }
0x2d: {  	_ =	swait.ge [sflag:s23], $0x4000  }
0x2e: {  	[sflag:s23] =	ssyncset.done $0x0  }
0x2f: {  	[sflag:s23] =	ssyncadd.s32 $0xFFFFC000  }
0x30: {  	_ =	swait.ge [sflag:s23], $0x4000  }
0x31: {  	[sflag:s23] =	ssyncset.done $0x0  }
0x32: {  	[sflag:s23] =	ssyncadd.s32 $0xFFFFC000  }
0x33: {  	_ =	swait.ge [sflag:s23], $0x3C00  }
0x34: {  	[sflag:s23] =	ssyncset.done $0x0  }
0x35: {  	[sflag:s23] =	ssyncadd.s32 $0xFFFFC400  }
0x36: {  	[bflag:$0x0] =	sbarrier.arrive $0xFFFF  }
0x37: {  	[tilespmem:$0x1E800] =	vst v0  }
0x38: {  	[tilespmem:$0x1E810] =	vst v1  }
0x39: {  	[tilespmem:$0x1E820] =	vst v2  }
0x3a: {  	[tilespmem:$0x1E830] =	vst v3  }
0x3b: {  	[tilespmem:$0x1E840] =	vst v4  }
0x3c: {  	[tilespmem:$0x1E850] =	vst v5  }
0x3d: {  	[tilespmem:$0x1E860] =	vst v6  }
0x3e: {  	[tilespmem:$0x1E870] =	vst v7;
	s2 =	rddreg [dreg:$0x5]  }
0x3f: {  	[tilespmem:s24], [sflag:$0x3] =	stream.linear.gather [hbm4b:s2+s3], $0x1400, $0x38;
	[tilespmem:$0x1E880] =	vst v63  }
0x40: {  	_ =	swait.ge [sflag:s22], $0x1400  }
0x41: {  	[sflag:s22] =	ssyncset.done $0x0  }
0x42: {  	s31 =	simm.s32 $0x15400;
	s5 =	rddreg [dreg:$0x6];
	[sflag:s22] =	ssyncadd.s32 $0xFFFFEC00  }
0x43: {  	[tilespmem:s31], [sflag:$0x3] =	stream.linear.gather [hbm4b:s5+s3], $0x1400, $0x38;
	[tilespmem:$0x1E880] =	vst v63  }
0x44: {  	_ =	swait.ge [sflag:s22], $0x1400  }
0x45: {  	[sflag:s22] =	ssyncset.done $0x0  }
0x46: {  	[sflag:s22] =	ssyncadd.s32 $0xFFFFEC00  }
0x47: {  	v8 =	vld [tilespmem:$0x13C00]  }
0x48: {  	v9 =	vld [tilespmem:$0x13C10]  }
0x49: {  	v10 =	vld [tilespmem:$0x13C20]  }
0x4a: {  	v11 =	vld [tilespmem:$0x13C30]  }
0x4b: {  	v12 =	vld [tilespmem:$0x13C40]  }
0x4c: {  	v62 =	vld [tilespmem:$0x13C60];
	[tilespmem:$0x15000] =	vst v8  }
0x4d: {  	v63 =	vld [tilespmem:$0x13C70];
	[tilespmem:$0x15010] =	vst v9  }
0x4e: {  	v8 =	vld [tilespmem:$0x13C50];
	[tilespmem:$0x15020] =	vst v10  }
0x4f: {  	[tilespmem:$0x15030] =	vst v11  }
0x50: {  	[tilespmem:$0x15040] =	vst v12  }
0x51: {  	[tilespmem:$0x15060] =	vst v62  }
0x52: {  	[tilespmem:$0x15070] =	vst v63  }
0x53: {  	[tilespmem:$0x15050] =	vst v8  }
0x54: {  	[tilespmem:s21], [sflag:$0x1] =	stream.indirect.gather [hbm4b:s4+s25], $0x80, s24, s25, $0xb8;
	[tilespmem:$0x1E880] =	vst v63  }
0x55: {  	_ = 	snop  }
0x56: {  	[spmem:s1] =	stream.indirect.scatter.add.f32 [tilespmem:s28], [sflag:$0x2], $0x80, s26, s25, $0xb8;
	[tilespmem:$0x1E880] =	vst v63  }
0x57: {  	_ =	swait.ge [sflag:s23], $0x4000  }
0x58: {  	[sflag:s23] =	ssyncset.done $0x0  }
0x59: {  	[sflag:s23] =	ssyncadd.s32 $0xFFFFC000  }
0x5a: {  	s11 =	simm.s32 $0x0;
	_ =	swait.ge [sflag:s29], $0x4000  }
0x5b: {  	s12 =	simm.s32 $0x13C80;
	s2 =	sand.u32 $0x4000, s11;
	[sflag:s29] =	ssyncset.done $0x0  }
0x5c: {  	s0 =	simm.s32 $0x1;
	s5 =	ssub.s32 $0x1A800, s2;
	[sflag:s29] =	ssyncadd.s32 $0xFFFFC000  }
0x5d: {  	[tilespmem:s5], [sflag:$0x1] =	stream.indirect.gather [hbm4b:s4+s25], $0x80, s12, s25, $0xb8;
	[tilespmem:$0x1E880] =	vst v63  }
0x5e: {  	s11 =	sadd.s32 $0x16800, s2;
	s2 =	simm.s32 $0x15480;
	s5 =	simm.s32 $0x13D00  }
.LBB2_2:
0x5f: {  	[spmem:s1] =	stream.indirect.scatter.add.f32 [tilespmem:s11], [sflag:$0x2], $0x80, s31, s25, $0xb8;
	[tilespmem:$0x1E880] =	vst v63  }
0x60: {  	s11 =	smov.u32 s0;
	s31 =	smov.u32 s2  }
0x61: {  	p0 =	sne.s32 s0, $0x27;
	s0 =	sadd.s32 $0x1, s0;
	_ =	swait.ge [sflag:s23], $0x4000  }
0x62: {  	[sflag:s23] =	ssyncset.done $0x0  }
0x63: {  	[sflag:s23] =	ssyncadd.s32 $0xFFFFC000  }
.Ltmp0:
0x64: {  	s11 =	sshll.u32 s11, $0xE;
	_ =	swait.ge [sflag:s29], $0x4000;
	(pc) =	sbr.rel @p0 .LBB2_2-.Ltmp0, $4  }
0x65: {  	s11 =	sand.u32 $0x4000, s11;
	[sflag:s29] =	ssyncset.done $0x0  }
0x66: {  	s12 =	ssub.s32 $0x1A800, s11;
	[sflag:s29] =	ssyncadd.s32 $0xFFFFC000  }
0x67: {  	[tilespmem:s12], [sflag:$0x1] =	stream.indirect.gather [hbm4b:s4+s25], $0x80, s5, s25, $0xb8;
	[tilespmem:$0x1E880] =	vst v63  }
0x68: {  	s2 =	sadd.s32 $0x80, s2;
	s11 =	sadd.s32 $0x16800, s11;
	s5 =	sadd.s32 $0x80, s5  }
0x69: {  	[spmem:s1] =	stream.indirect.scatter.add.f32 [tilespmem:s11], [sflag:$0x2], $0x80, s31, s25, $0xb8;
	[tilespmem:$0x1E880] =	vst v63  }
0x6a: {  	_ =	swait.ge [sflag:s23], $0x4000  }
0x6b: {  	[sflag:s23] =	ssyncset.done $0x0  }
0x6c: {  	[sflag:s23] =	ssyncadd.s32 $0xFFFFC000  }
0x6d: {  	_ =	swait.ge [sflag:s29], $0x4000  }
0x6e: {  	[sflag:s29] =	ssyncset.done $0x0  }
0x6f: {  	s0 =	simm.s32 $0x0;
	[sflag:s29] =	ssyncadd.s32 $0xFFFFC000  }
0x70: {  	[tilespmem:s24], [sflag:$0x3] =	stream.linear.gather [hbm4b:s13+s0], $0x1400, $0x38;
	[tilespmem:$0x1E880] =	vst v63  }
0x71: {  	_ =	swait.ge [sflag:s22], $0x1400  }
0x72: {  	[sflag:s22] =	ssyncset.done $0x0  }
0x73: {  	s31 =	simm.s32 $0x15400;
	[sflag:s22] =	ssyncadd.s32 $0xFFFFEC00  }
0x74: {  	[tilespmem:s31], [sflag:$0x3] =	stream.linear.gather [hbm4b:s14+s0], $0x1400, $0x38;
	[tilespmem:$0x1E880] =	vst v63  }
0x75: {  	_ =	swait.ge [sflag:s22], $0x1400  }
0x76: {  	[sflag:s22] =	ssyncset.done $0x0  }
0x77: {  	[sflag:s22] =	ssyncadd.s32 $0xFFFFEC00  }
0x78: {  	v8 =	vld [tilespmem:$0x13C00]  }
0x79: {  	v9 =	vld [tilespmem:$0x13C10]  }
0x7a: {  	v10 =	vld [tilespmem:$0x13C20]  }
0x7b: {  	v11 =	vld [tilespmem:$0x13C30]  }
0x7c: {  	v12 =	vld [tilespmem:$0x13C40]  }
0x7d: {  	v62 =	vld [tilespmem:$0x13C60];
	[tilespmem:$0x15000] =	vst v8  }
0x7e: {  	v63 =	vld [tilespmem:$0x13C70];
	[tilespmem:$0x15010] =	vst v9  }
0x7f: {  	v8 =	vld [tilespmem:$0x13C50];
	[tilespmem:$0x15020] =	vst v10  }
0x80: {  	[tilespmem:$0x15030] =	vst v11  }
0x81: {  	[tilespmem:$0x15040] =	vst v12  }
0x82: {  	[tilespmem:$0x15060] =	vst v62  }
0x83: {  	[tilespmem:$0x15070] =	vst v63  }
0x84: {  	[tilespmem:$0x15050] =	vst v8  }
0x85: {  	[tilespmem:s21], [sflag:$0x1] =	stream.indirect.gather [hbm4b:s4+s25], $0x80, s24, s25, $0xb8;
	[tilespmem:$0x1E880] =	vst v63  }
0x86: {  	_ = 	snop  }
0x87: {  	[spmem:s1] =	stream.indirect.scatter.add.f32 [tilespmem:s28], [sflag:$0x2], $0x80, s26, s25, $0xb8;
	[tilespmem:$0x1E880] =	vst v63  }
0x88: {  	_ =	swait.ge [sflag:s23], $0x4000  }
0x89: {  	[sflag:s23] =	ssyncset.done $0x0  }
0x8a: {  	[sflag:s23] =	ssyncadd.s32 $0xFFFFC000  }
0x8b: {  	s11 =	simm.s32 $0x0;
	_ =	swait.ge [sflag:s29], $0x4000  }
0x8c: {  	s12 =	simm.s32 $0x13C80;
	s2 =	sand.u32 $0x4000, s11;
	[sflag:s29] =	ssyncset.done $0x0  }
0x8d: {  	s5 =	ssub.s32 $0x1A800, s2;
	s11 =	sadd.s32 $0x16800, s2;
	[sflag:s29] =	ssyncadd.s32 $0xFFFFC000  }
0x8e: {  	[tilespmem:s5], [sflag:$0x1] =	stream.indirect.gather [hbm4b:s4+s25], $0x80, s12, s25, $0xb8;
	[tilespmem:$0x1E880] =	vst v63  }
0x8f: {  	s2 =	simm.s32 $0x15480;
	s0 =	simm.s32 $0x1;
	s5 =	simm.s32 $0x13D00  }
.LBB2_4:
0x90: {  	[spmem:s1] =	stream.indirect.scatter.add.f32 [tilespmem:s11], [sflag:$0x2], $0x80, s31, s25, $0xb8;
	[tilespmem:$0x1E880] =	vst v63  }
0x91: {  	s11 =	smov.u32 s0;
	s31 =	smov.u32 s2  }
0x92: {  	p0 =	sne.s32 s0, $0x27;
	s0 =	sadd.s32 $0x1, s0;
	_ =	swait.ge [sflag:s23], $0x4000  }
0x93: {  	[sflag:s23] =	ssyncset.done $0x0  }
0x94: {  	[sflag:s23] =	ssyncadd.s32 $0xFFFFC000  }
.Ltmp1:
0x95: {  	s11 =	sshll.u32 s11, $0xE;
	_ =	swait.ge [sflag:s29], $0x4000;
	(pc) =	sbr.rel @p0 .LBB2_4-.Ltmp1, $4  }
0x96: {  	s11 =	sand.u32 $0x4000, s11;
	[sflag:s29] =	ssyncset.done $0x0  }
0x97: {  	s12 =	ssub.s32 $0x1A800, s11;
	[sflag:s29] =	ssyncadd.s32 $0xFFFFC000  }
0x98: {  	[tilespmem:s12], [sflag:$0x1] =	stream.indirect.gather [hbm4b:s4+s25], $0x80, s5, s25, $0xb8;
	[tilespmem:$0x1E880] =	vst v63  }
0x99: {  	s2 =	sadd.s32 $0x80, s2;
	s11 =	sadd.s32 $0x16800, s11;
	s5 =	sadd.s32 $0x80, s5  }
0x9a: {  	[spmem:s1] =	stream.indirect.scatter.add.f32 [tilespmem:s11], [sflag:$0x2], $0x80, s31, s25, $0xb8;
	[tilespmem:$0x1E880] =	vst v63  }
0x9b: {  	_ =	swait.ge [sflag:s23], $0x4000  }
0x9c: {  	[sflag:s23] =	ssyncset.done $0x0  }
0x9d: {  	[sflag:s23] =	ssyncadd.s32 $0xFFFFC000  }
0x9e: {  	_ =	swait.ge [sflag:s29], $0x4000  }
0x9f: {  	[sflag:s29] =	ssyncset.done $0x0  }
0xa0: {  	[sflag:s29] =	ssyncadd.s32 $0xFFFFC000  }
0xa1: {  	[bflag:$0x0] =	sbarrier.arrive $0xFFFF  }
0xa2: {  	[tilespmem:s21], [sflag:$0x1] =	stream.linear.gather [spmem:s6], $0x4000, $0x38;
	[tilespmem:$0x1E880] =	vst v63  }
0xa3: {  	_ =	swait.ge [sflag:s29], $0x4000  }
0xa4: {  	[sflag:s29] =	ssyncset.done $0x0  }
0xa5: {  	[sflag:s29] =	ssyncadd.s32 $0xFFFFC000  }
0xa6: {  	[hbm4b:s15+s3] =	stream.linear.scatter [tilespmem:s21], [sflag:$0x2], $0x4000, $0x38;
	[tilespmem:$0x1E880] =	vst v63  }
0xa7: {  	_ = 	snop  }
0xa8: {  	[tilespmem:s28], [sflag:$0x1] =	stream.linear.gather [spmem:s7], $0x4000, $0x38;
	[tilespmem:$0x1E880] =	vst v63  }
0xa9: {  	_ =	swait.ge [sflag:s29], $0x4000  }
0xaa: {  	[sflag:s29] =	ssyncset.done $0x0  }
0xab: {  	[sflag:s29] =	ssyncadd.s32 $0xFFFFC000  }
0xac: {  	[hbm4b:s16+s3] =	stream.linear.scatter [tilespmem:s28], [sflag:$0x2], $0x4000, $0x38;
	[tilespmem:$0x1E880] =	vst v63  }
0xad: {  	_ =	swait.ge [sflag:s23], $0x4000  }
0xae: {  	[sflag:s23] =	ssyncset.done $0x0  }
0xaf: {  	[sflag:s23] =	ssyncadd.s32 $0xFFFFC000  }
0xb0: {  	[tilespmem:s21], [sflag:$0x1] =	stream.linear.gather [spmem:s8], $0x4000, $0x38;
	[tilespmem:$0x1E880] =	vst v63  }
0xb1: {  	_ =	swait.ge [sflag:s29], $0x4000  }
0xb2: {  	[sflag:s29] =	ssyncset.done $0x0  }
0xb3: {  	[sflag:s29] =	ssyncadd.s32 $0xFFFFC000  }
0xb4: {  	[hbm4b:s17+s3] =	stream.linear.scatter [tilespmem:s21], [sflag:$0x2], $0x4000, $0x38;
	[tilespmem:$0x1E880] =	vst v63  }
0xb5: {  	_ =	swait.ge [sflag:s23], $0x4000  }
0xb6: {  	[sflag:s23] =	ssyncset.done $0x0  }
0xb7: {  	[sflag:s23] =	ssyncadd.s32 $0xFFFFC000  }
0xb8: {  	[tilespmem:s28], [sflag:$0x1] =	stream.linear.gather [spmem:s9], $0x4000, $0x38;
	[tilespmem:$0x1E880] =	vst v63  }
0xb9: {  	_ =	swait.ge [sflag:s29], $0x4000  }
0xba: {  	[sflag:s29] =	ssyncset.done $0x0  }
0xbb: {  	[sflag:s29] =	ssyncadd.s32 $0xFFFFC000  }
0xbc: {  	[hbm4b:s18+s3] =	stream.linear.scatter [tilespmem:s28], [sflag:$0x2], $0x4000, $0x38;
	[tilespmem:$0x1E880] =	vst v63  }
0xbd: {  	_ =	swait.ge [sflag:s23], $0x4000  }
0xbe: {  	[sflag:s23] =	ssyncset.done $0x0  }
0xbf: {  	[sflag:s23] =	ssyncadd.s32 $0xFFFFC000  }
0xc0: {  	[tilespmem:s21], [sflag:$0x1] =	stream.linear.gather [spmem:s10], $0x3C00, $0x38;
	[tilespmem:$0x1E880] =	vst v63  }
0xc1: {  	_ =	swait.ge [sflag:s29], $0x3C00  }
0xc2: {  	[sflag:s29] =	ssyncset.done $0x0  }
0xc3: {  	s30 =	sadd.s32 $0x1, s30;
	[sflag:s29] =	ssyncadd.s32 $0xFFFFC400  }
0xc4: {  	[hbm4b:s19+s3] =	stream.linear.scatter [tilespmem:s21], [sflag:$0x2], $0x3C00, $0x38;
	[tilespmem:$0x1E880] =	vst v63  }
0xc5: {  	p0 =	sne.s32 s30, s20;
	_ =	swait.ge [sflag:s23], $0x4000  }
.Ltmp2:
0xc6: {  	[sflag:s23] =	ssyncset.done $0x0;
	(pc) =	sbr.rel @p0 .LBB2_1-.Ltmp2, $4  }
0xc7: {  	[sflag:s23] =	ssyncadd.s32 $0xFFFFC000  }
0xc8: {  	_ =	swait.ge [sflag:s23], $0x3C00  }
0xc9: {  	[sflag:s23] =	ssyncset.done $0x0  }
0xca: {  	[sflag:s23] =	ssyncadd.s32 $0xFFFFC400  }
0xcb: {  	_ =	sfence.sel $0x180000  }
0xcc: {  	[bflag:$0x0] =	sbarrier.arrive $0xFFFF  }
0xcd: {  	_ =	strace $0x9000004A  }
0xce: {  	s0 =	stileid.u32;
	[bflag:$0x2] =	sbarrier.arrive $0xFFFF  }
0xcf: {  	p0 =	sne.s32 s0, $0x0;
	s0 =	rddreg [dreg:$0x3]  }
0xd0: {  	s0 =	sadd.s32 @!p0 $0x100000, s0  }
0xd1: {  	[sflag:s0] =	ssyncadd.tile.s32 @!p0 $0x1;
	_ =	shalt  }
.Lfunc_end2:
_tile_overlayer_lowered:
.L_overlay_start_2:
0xd2: {  	(tag) =	ssettag $0x2  }
0xd3: {  	s0 =	rddreg [dreg:$0x0];
	s2 =	stileid.u32  }
0xd4: {  	s1 =	rddreg [dreg:$0x1];
	p0 =	sne.s32 s2, $0x0  }
0xd5: {  	s3 =	rddreg [dreg:$0x2];
	[bflag:$0x3] =	sbarrier.arrive $0xFFFF;
	s2 =	simm.s32 @!p0 $0x1C03  }
0xd6: {  	[timem:s3], [sflag:s2] =	dma.local @!p0 [hbm:s0], s1  }
0xd7: {  	s0 =	simm.s32 @!p0 $0x3  }
0xd8: {  	_ =	swait.ge @!p0 [sflag:s0], s1  }
0xd9: {  	s1 =	ssub.s32 @!p0 $0x0, s1;
	[sflag:s0] =	ssyncset.done @!p0 $0x0  }
0xda: {  	[sflag:s0] =	ssyncadd.s32 @!p0 s1  }
0xdb: {  	[bflag:$0x3] =	sbarrier.arrive $0xFFFF  }
0xdc: {  	_ =	shalt  }

</sc_bundles>
